<compile_context>
chip_gen: v7x
topology: tpu7x:2x2x1
jax: 0.10.2.dev20260603
libtpu: 0.0.44.dev20260713+nightly
codegen_flags: <defaults>
</compile_context>

<pallas_src>
import functools

import jax
import jax.numpy as jnp
from jax import lax
from jax.experimental import pallas as pl
from jax.experimental.pallas import tpu as pltpu
from jax.experimental.pallas import tpu_sc as plsc

_NUM_CLASSES = 20
_THING = frozenset([5, 6, 7, 11, 12, 13, 14, 15, 16, 17, 18])
_HS = 32
_D = 8
_NC = 2
_NS = 16
_NW = _NC * _NS
_L = 16


@functools.lru_cache(maxsize=None)
def _make_sc_kernel(B, H, W):
    Ho, Wo = H // _D, W // _D
    n_chunks = B * Ho
    assert n_chunks % (2 * _NW) == 0 and W % _L == 0 and Wo % _L == 0
    cpw = n_chunks // _NW
    hist_words = Wo * _HS
    mesh = plsc.VectorSubcoreMesh(core_axis_name="c", subcore_axis_name="s")

    @functools.partial(
        pl.kernel,
        out_type=jax.ShapeDtypeStruct((B, Ho, Wo), jnp.int32),
        mesh=mesh,
        compiler_params=pltpu.CompilerParams(needs_layout_passes=False),
        scratch_types=[
            pltpu.VMEM((_D, W), jnp.int32),
            pltpu.VMEM((_D, W), jnp.int32),
            pltpu.VMEM((hist_words,), jnp.int32),
            pltpu.VMEM((Wo,), jnp.int32),
            pltpu.SemaphoreType.DMA,
            pltpu.SemaphoreType.DMA,
        ],
    )
    def sc_kernel(labels_hbm, out_hbm, buf0, buf1, hist, modes, sem0, sem1):
        wid = lax.axis_index("s") * _NC + lax.axis_index("c")
        base = wid * cpw
        lanes = lax.iota(jnp.int32, _L)
        half = (lanes >> 3) << 5
        blk16 = lanes << 5
        ones = jnp.ones((_L,), jnp.int32)
        zeros = jnp.zeros((_L,), jnp.int32)
        bufs = (buf0, buf1)
        sems = (sem0, sem1)

        def start_load(n, b):
            cid = base + n
            pltpu.async_copy(
                labels_hbm.at[cid // Ho, pl.ds((cid % Ho) * _D, _D), :],
                bufs[b], sems[b])

        def compute(buf, n):
            cid = base + n

            def zero_body(j, _):
                for t in range(16):
                    hist[pl.ds(j * (16 * _L) + t * _L, _L)] = zeros
                return 0

            lax.fori_loop(0, hist_words // (16 * _L), zero_body, 0)

            def col_body(kk, _):
                idxs = []
                for dk in range(2):
                    k = kk * 2 + dk
                    idx_base = half + k * (2 * _HS)
                    for r in range(_D):
                        idxs.append(idx_base + buf[r, pl.ds(k * _L, _L)])
                for iv in idxs:
                    plsc.addupdate_scatter(hist, [iv], ones)
                return 0

            lax.fori_loop(0, W // (2 * _L), col_body, 0)

            def argmax_body(j, _):
                jb = j * _L
                bid = blk16 + j * (_L * _HS)
                ss = []
                for cc in range(_NUM_CLASSES):
                    h = plsc.load_gather(hist, [bid + cc])
                    w = 10 if cc in _THING else 1
                    ss.append(h * (32 * w) + (31 - cc))
                while len(ss) > 1:
                    nxt = [jnp.maximum(ss[i], ss[i + 1])
                           for i in range(0, len(ss) - 1, 2)]
                    if len(ss) % 2:
                        nxt.append(ss[-1])
                    ss = nxt
                modes[pl.ds(jb, _L)] = 31 - (ss[0] & 31)
                return 0

            lax.fori_loop(0, Wo // _L, argmax_body, 0)
            pltpu.sync_copy(modes, out_hbm.at[cid // Ho, cid % Ho, :])

        start_load(0, 0)

        def pair_body(g, _):
            n = g * 2
            start_load(n + 1, 1)
            pltpu.make_async_copy(labels_hbm.at[0, pl.ds(0, _D), :], buf0, sem0).wait()
            compute(buf0, n)

            @pl.when(n + 2 < cpw)
            def _():
                start_load(n + 2, 0)

            pltpu.make_async_copy(labels_hbm.at[0, pl.ds(0, _D), :], buf1, sem1).wait()
            compute(buf1, n + 1)
            return 0

        lax.fori_loop(0, cpw // 2, pair_body, 0)

    return sc_kernel


def kernel(labels, downsample_factor=8):
    B, H, W = labels.shape
    modes = _make_sc_kernel(B, H, W)(labels)
    residual = (jnp.asarray(downsample_factor) - _D).astype(jnp.int32)
    return modes + residual

# --- scband reference (transcript-rebuilt; emitter-appended) ---
"""Pipeline reference for scband-class-weighted-modal-down-sampler-31542239822127 (READ-ONLY COPY).

The authoritative reference and input builder live on the scoring server;
editing this copy changes nothing except your own understanding.
"""

import jax, jax.numpy as jnp
import numpy as np

NUM_CLASSES = 20
# thing class indices in the 19-class Cityscapes known_class_list
THING_IDX = np.array([5, 6, 7, 11, 12, 13, 14, 15, 16, 17, 18])


def setup_inputs(seed: int = 0) -> dict:
    key = jax.random.key(seed)
    labels = jax.random.randint(key, (8, 512, 1024), 0, 20, dtype=jnp.int32)
    return {"labels": labels, "downsample_factor": 8}


def reference(labels, downsample_factor=8):
    # labels: int[B, H, W]
    B, H, W = labels.shape
    d = 8
    Ho, Wo = H // d, W // d

    class_weights = jnp.ones((NUM_CLASSES,), dtype=jnp.float32)
    class_weights = class_weights.at[jnp.asarray(THING_IDX)].set(10.0)

    # F.unfold(kernel=d, stride=d) partitions the image into non-overlapping dxd
    # blocks; the sum over the kernel dimension (dim=1 in torch) is order-invariant,
    # so an equivalent block reshape suffices.
    blocks = labels.reshape(B, Ho, d, Wo, d)  # [B, Ho, d, Wo, d]
    one_hot = jax.nn.one_hot(blocks, NUM_CLASSES, dtype=jnp.float32)  # [B, Ho, d, Wo, d, C]
    class_counts = jnp.sum(one_hot, axis=(2, 4))  # [B, Ho, Wo, C]
    weighted_class_counts = class_counts * class_weights.reshape(1, 1, 1, -1)
    modes = jnp.argmax(weighted_class_counts, axis=-1)  # [B, Ho, Wo]
    # F.fold(kernel=1, stride=1) is a pure reshape to (Ho, Wo), already done;
    # .squeeze().long() with B>1 keeps the batch dim.
    residual = (jnp.asarray(downsample_factor) - d).astype(jnp.int32)
    return modes.astype(jnp.int32) + residual

if __name__ == "__main__":
    import jax
    _d = setup_inputs()
    print(jax.jit(kernel)(*tuple(_d.values())))

</pallas_src>

<mosaic_0001>
#map = affine_map<(d0, d1) -> (0, 0, 0)>
module attributes {stable_mosaic.version = 14 : i64} {
  func.func @sc_kernel(%arg0: i32, %arg1: i32, %arg2: memref<8x512x1024xi32, #tpu.memory_space<hbm>>, %arg3: memref<8x64x128xi32, #tpu.memory_space<hbm>>, %arg4: memref<8x1024xi32, #tpu.memory_space<vmem>>, %arg5: memref<8x1024xi32, #tpu.memory_space<vmem>>, %arg6: memref<4096xi32, #tpu.memory_space<vmem>>, %arg7: memref<128xi32, #tpu.memory_space<vmem>>, %arg8: memref<!tpu.dma_semaphore, #tpu.memory_space<semaphore_mem>>, %arg9: memref<!tpu.dma_semaphore, #tpu.memory_space<semaphore_mem>>) attributes {dimension_semantics = [#tpu.dimension_semantics<core_parallel>, #tpu.dimension_semantics<subcore_parallel>], iteration_bounds = array<i64: 2, 16>, scalar_prefetch = 0 : i64, scratch_operands = 6 : i64, tpu.core_type = #tpu.core_type<sc_vector_subcore>, window_params = [{transform_indices = #map}, {transform_indices = #map}]} {
    %mul3A = arith.constant 2 : i32
    %mul3A_0 = arith.muli %arg1, %mul3A : i32
    %add3A = arith.addi %mul3A_0, %arg0 : i32
    %mul3A_1 = arith.constant 16 : i32
    %mul3A_2 = arith.muli %add3A, %mul3A_1 : i32
    %iota3A = tpu.iota {dimensions = array<i32: 0>} : vector<16xi32>
    %shift_right_arithmetic3A = arith.constant 3 : i32
    %shift_right_arithmetic3A_3 = vector.broadcast %shift_right_arithmetic3A : i32 to vector<16xi32>
    %shift_right_arithmetic3A_4 = arith.shrsi %iota3A, %shift_right_arithmetic3A_3 : vector<16xi32>
    %shift_left3A = arith.constant 5 : i32
    %shift_left3A_5 = vector.broadcast %shift_left3A : i32 to vector<16xi32>
    %shift_left3A_6 = arith.shli %shift_right_arithmetic3A_4, %shift_left3A_5 : vector<16xi32>
    %shift_left3A_7 = arith.constant 5 : i32
    %shift_left3A_8 = vector.broadcast %shift_left3A_7 : i32 to vector<16xi32>
    %shift_left3A_9 = arith.shli %iota3A, %shift_left3A_8 : vector<16xi32>
    %broadcast_in_dim3A = arith.constant 1 : i32
    %broadcast_in_dim3A_10 = vector.broadcast %broadcast_in_dim3A : i32 to vector<16xi32>
    %broadcast_in_dim3A_11 = arith.constant 0 : i32
    %broadcast_in_dim3A_12 = vector.broadcast %broadcast_in_dim3A_11 : i32 to vector<16xi32>
    %add3A_13 = arith.constant 0 : i32
    %add3A_14 = arith.addi %mul3A_2, %add3A_13 : i32
    %jit3A = arith.constant 64 : i32
    %div3A = arith.divsi %add3A_14, %jit3A : i32
    %sign3A = arith.constant 0 : i32
    %sign3A_15 = arith.cmpi sgt, %add3A_14, %sign3A : i32
    %sign3A_16 = arith.extui %sign3A_15 : i1 to i32
    %sign3A_17 = arith.constant 0 : i32
    %sign3A_18 = arith.cmpi slt, %add3A_14, %sign3A_17 : i32
    %sign3A_19 = arith.extui %sign3A_18 : i1 to i32
    %sign3A_20 = arith.subi %sign3A_16, %sign3A_19 : i32
    %sign3A_21 = arith.constant 0 : i32
    %sign3A_22 = arith.cmpi sgt, %jit3A, %sign3A_21 : i32
    %sign3A_23 = arith.extui %sign3A_22 : i1 to i32
    %sign3A_24 = arith.constant 0 : i32
    %sign3A_25 = arith.cmpi slt, %jit3A, %sign3A_24 : i32
    %sign3A_26 = arith.extui %sign3A_25 : i1 to i32
    %sign3A_27 = arith.subi %sign3A_23, %sign3A_26 : i32
    %ne3A = arith.cmpi ne, %sign3A_20, %sign3A_27 : i32
    %rem3A = arith.remsi %add3A_14, %jit3A : i32
    %ne3A_28 = arith.constant 0 : i32
    %ne3A_29 = arith.cmpi ne, %rem3A, %ne3A_28 : i32
    %and3A = arith.andi %ne3A, %ne3A_29 : i1
    %sub3A = arith.constant 1 : i32
    %sub3A_30 = arith.subi %div3A, %sub3A : i32
    %select_n3A = arith.select %and3A, %sub3A_30, %div3A : i32
    %jit3A_31 = arith.constant 64 : i32
    %eq3A = arith.constant 0 : i32
    %eq3A_32 = arith.cmpi eq, %jit3A_31, %eq3A : i32
    %jit3A_33 = arith.constant 1 : i32
    %select_n3A_34 = arith.select %eq3A_32, %jit3A_33, %jit3A_31 : i32
    %rem3A_35 = arith.remsi %add3A_14, %select_n3A_34 : i32
    %ne3A_36 = arith.constant 0 : i32
    %ne3A_37 = arith.cmpi ne, %rem3A_35, %ne3A_36 : i32
    %lt3A = arith.constant 0 : i32
    %lt3A_38 = arith.cmpi slt, %rem3A_35, %lt3A : i32
    %lt3A_39 = arith.constant 0 : i32
    %lt3A_40 = arith.cmpi slt, %select_n3A_34, %lt3A_39 : i32
    %ne3A_41 = arith.xori %lt3A_38, %lt3A_40 : i1
    %and3A_42 = arith.andi %ne3A_41, %ne3A_37 : i1
    %add3A_43 = arith.addi %rem3A_35, %select_n3A_34 : i32
    %select_n3A_44 = arith.select %and3A_42, %add3A_43, %rem3A_35 : i32
    %mul3A_45 = arith.constant 8 : i32
    %mul3A_46 = arith.muli %select_n3A_44, %mul3A_45 : i32
    %dma_start3A = arith.constant 0 : i32
    %dma_start3A_47 = tpu.memref_slice %arg2[%select_n3A, %mul3A_46, %dma_start3A] : memref<8x512x1024xi32, #tpu.memory_space<hbm>> -> memref<1x8x1024xi32, #tpu.memory_space<hbm>>
    %dma_start3A_48 = tpu.memref_squeeze %dma_start3A_47 : memref<1x8x1024xi32, #tpu.memory_space<hbm>> -> memref<8x1024xi32, #tpu.memory_space<hbm>>
    %dma_start3A_49 = arith.constant 0 : i32
    %dma_start3A_50 = tpu.memref_slice %arg2[%select_n3A, %mul3A_46, %dma_start3A_49] : memref<8x512x1024xi32, #tpu.memory_space<hbm>> -> memref<1x8x1024xi32, #tpu.memory_space<hbm>>
    %dma_start3A_51 = tpu.memref_squeeze %dma_start3A_50 : memref<1x8x1024xi32, #tpu.memory_space<hbm>> -> memref<8x1024xi32, #tpu.memory_space<hbm>>
    tpu.enqueue_dma source(%dma_start3A_51 : memref<8x1024xi32, #tpu.memory_space<hbm>>) target(%arg4 : memref<8x1024xi32, #tpu.memory_space<vmem>>) target_semaphore(%arg8 : memref<!tpu.dma_semaphore, #tpu.memory_space<semaphore_mem>>)
    %scan3A = arith.constant 0 : i32
    %scan3A_52 = arith.constant 0 : i32
    %scan3A_53 = arith.constant 8 : i32
    %scan3A_54 = arith.addi %scan3A_52, %scan3A_53 : i32
    %scan3A_55 = arith.constant 1 : i32
    %scan3A_56 = scf.for %scan3A_58 = %scan3A_52 to %scan3A_54 step %scan3A_55 iter_args(%scan3A_59 = %scan3A) -> (i32)  : i32 {
      %mul3A_60 = arith.constant 2 : i32
      %mul3A_61 = arith.muli %scan3A_58, %mul3A_60 : i32
      %add3A_62 = arith.constant 1 : i32
      %add3A_63 = arith.addi %mul3A_61, %add3A_62 : i32
      %add3A_64 = arith.addi %mul3A_2, %add3A_63 : i32
      %jit3A_65 = arith.constant 64 : i32
      %div3A_66 = arith.divsi %add3A_64, %jit3A_65 : i32
      %sign3A_67 = arith.constant 0 : i32
      %sign3A_68 = arith.cmpi sgt, %add3A_64, %sign3A_67 : i32
      %sign3A_69 = arith.extui %sign3A_68 : i1 to i32
      %sign3A_70 = arith.constant 0 : i32
      %sign3A_71 = arith.cmpi slt, %add3A_64, %sign3A_70 : i32
      %sign3A_72 = arith.extui %sign3A_71 : i1 to i32
      %sign3A_73 = arith.subi %sign3A_69, %sign3A_72 : i32
      %sign3A_74 = arith.constant 0 : i32
      %sign3A_75 = arith.cmpi sgt, %jit3A_65, %sign3A_74 : i32
      %sign3A_76 = arith.extui %sign3A_75 : i1 to i32
      %sign3A_77 = arith.constant 0 : i32
      %sign3A_78 = arith.cmpi slt, %jit3A_65, %sign3A_77 : i32
      %sign3A_79 = arith.extui %sign3A_78 : i1 to i32
      %sign3A_80 = arith.subi %sign3A_76, %sign3A_79 : i32
      %ne3A_81 = arith.cmpi ne, %sign3A_73, %sign3A_80 : i32
      %rem3A_82 = arith.remsi %add3A_64, %jit3A_65 : i32
      %ne3A_83 = arith.constant 0 : i32
      %ne3A_84 = arith.cmpi ne, %rem3A_82, %ne3A_83 : i32
      %and3A_85 = arith.andi %ne3A_81, %ne3A_84 : i1
      %sub3A_86 = arith.constant 1 : i32
      %sub3A_87 = arith.subi %div3A_66, %sub3A_86 : i32
      %select_n3A_88 = arith.select %and3A_85, %sub3A_87, %div3A_66 : i32
      %jit3A_89 = arith.constant 64 : i32
      %eq3A_90 = arith.constant 0 : i32
      %eq3A_91 = arith.cmpi eq, %jit3A_89, %eq3A_90 : i32
      %jit3A_92 = arith.constant 1 : i32
      %select_n3A_93 = arith.select %eq3A_91, %jit3A_92, %jit3A_89 : i32
      %rem3A_94 = arith.remsi %add3A_64, %select_n3A_93 : i32
      %ne3A_95 = arith.constant 0 : i32
      %ne3A_96 = arith.cmpi ne, %rem3A_94, %ne3A_95 : i32
      %lt3A_97 = arith.constant 0 : i32
      %lt3A_98 = arith.cmpi slt, %rem3A_94, %lt3A_97 : i32
      %lt3A_99 = arith.constant 0 : i32
      %lt3A_100 = arith.cmpi slt, %select_n3A_93, %lt3A_99 : i32
      %ne3A_101 = arith.xori %lt3A_98, %lt3A_100 : i1
      %and3A_102 = arith.andi %ne3A_101, %ne3A_96 : i1
      %add3A_103 = arith.addi %rem3A_94, %select_n3A_93 : i32
      %select_n3A_104 = arith.select %and3A_102, %add3A_103, %rem3A_94 : i32
      %mul3A_105 = arith.constant 8 : i32
      %mul3A_106 = arith.muli %select_n3A_104, %mul3A_105 : i32
      %dma_start3A_107 = arith.constant 0 : i32
      %dma_start3A_108 = tpu.memref_slice %arg2[%select_n3A_88, %mul3A_106, %dma_start3A_107] : memref<8x512x1024xi32, #tpu.memory_space<hbm>> -> memref<1x8x1024xi32, #tpu.memory_space<hbm>>
      %dma_start3A_109 = tpu.memref_squeeze %dma_start3A_108 : memref<1x8x1024xi32, #tpu.memory_space<hbm>> -> memref<8x1024xi32, #tpu.memory_space<hbm>>
      %dma_start3A_110 = arith.constant 0 : i32
      %dma_start3A_111 = tpu.memref_slice %arg2[%select_n3A_88, %mul3A_106, %dma_start3A_110] : memref<8x512x1024xi32, #tpu.memory_space<hbm>> -> memref<1x8x1024xi32, #tpu.memory_space<hbm>>
      %dma_start3A_112 = tpu.memref_squeeze %dma_start3A_111 : memref<1x8x1024xi32, #tpu.memory_space<hbm>> -> memref<8x1024xi32, #tpu.memory_space<hbm>>
      tpu.enqueue_dma source(%dma_start3A_112 : memref<8x1024xi32, #tpu.memory_space<hbm>>) target(%arg5 : memref<8x1024xi32, #tpu.memory_space<vmem>>) target_semaphore(%arg9 : memref<!tpu.dma_semaphore, #tpu.memory_space<semaphore_mem>>)
      %dma_wait3A = arith.constant 0 : i32
      %dma_wait3A_113 = arith.constant 0 : i32
      %dma_wait3A_114 = arith.constant 0 : i32
      %dma_wait3A_115 = tpu.memref_slice %arg2[%dma_wait3A, %dma_wait3A_113, %dma_wait3A_114] : memref<8x512x1024xi32, #tpu.memory_space<hbm>> -> memref<1x8x1024xi32, #tpu.memory_space<hbm>>
      %dma_wait3A_116 = tpu.memref_squeeze %dma_wait3A_115 : memref<1x8x1024xi32, #tpu.memory_space<hbm>> -> memref<8x1024xi32, #tpu.memory_space<hbm>>
      %dma_wait3A_117 = arith.constant 0 : i32
      %dma_wait3A_118 = arith.constant 0 : i32
      %dma_wait3A_119 = tpu.memref_slice %arg2[%dma_wait3A, %dma_wait3A_117, %dma_wait3A_118] : memref<8x512x1024xi32, #tpu.memory_space<hbm>> -> memref<1x8x1024xi32, #tpu.memory_space<hbm>>
      %dma_wait3A_120 = tpu.memref_squeeze %dma_wait3A_119 : memref<1x8x1024xi32, #tpu.memory_space<hbm>> -> memref<8x1024xi32, #tpu.memory_space<hbm>>
      tpu.wait_dma2 semaphore(%arg8 : memref<!tpu.dma_semaphore, #tpu.memory_space<semaphore_mem>>) src(%dma_wait3A_120 : memref<8x1024xi32, #tpu.memory_space<hbm>>) dst(%arg4 : memref<8x1024xi32, #tpu.memory_space<vmem>>)
      %add3A_121 = arith.addi %mul3A_2, %mul3A_61 : i32
      %scan3A_122 = arith.constant 0 : i32
      %scan3A_123 = arith.constant 0 : i32
      %scan3A_124 = arith.constant 16 : i32
      %scan3A_125 = arith.addi %scan3A_123, %scan3A_124 : i32
      %scan3A_126 = arith.constant 1 : i32
      %scan3A_127 = scf.for %scan3A_262 = %scan3A_123 to %scan3A_125 step %scan3A_126 iter_args(%scan3A_263 = %scan3A_122) -> (i32)  : i32 {
        %mul3A_264 = arith.constant 256 : i32
        %mul3A_265 = arith.muli %scan3A_262, %mul3A_264 : i32
        %add3A_266 = arith.constant 0 : i32
        %add3A_267 = arith.addi %mul3A_265, %add3A_266 : i32
        %swap3A = arith.index_cast %add3A_267 : i32 to index
        %swap3A_268 = tpu.vector_load %arg6[%swap3A] {strides = array<i32>} : memref<4096xi32, #tpu.memory_space<vmem>>, vector<16xi32>,
        tpu.vector_store %arg6[%swap3A], %broadcast_in_dim3A_12 {strides = array<i32>} : memref<4096xi32, #tpu.memory_space<vmem>>, vector<16xi32>,
        %mul3A_269 = arith.constant 256 : i32
        %mul3A_270 = arith.muli %scan3A_262, %mul3A_269 : i32
        %add3A_271 = arith.constant 16 : i32
        %add3A_272 = arith.addi %mul3A_270, %add3A_271 : i32
        %swap3A_273 = arith.index_cast %add3A_272 : i32 to index
        %swap3A_274 = tpu.vector_load %arg6[%swap3A_273] {strides = array<i32>} : memref<4096xi32, #tpu.memory_space<vmem>>, vector<16xi32>,
        tpu.vector_store %arg6[%swap3A_273], %broadcast_in_dim3A_12 {strides = array<i32>} : memref<4096xi32, #tpu.memory_space<vmem>>, vector<16xi32>,
        %mul3A_275 = arith.constant 256 : i32
        %mul3A_276 = arith.muli %scan3A_262, %mul3A_275 : i32
        %add3A_277 = arith.constant 32 : i32
        %add3A_278 = arith.addi %mul3A_276, %add3A_277 : i32
        %swap3A_279 = arith.index_cast %add3A_278 : i32 to index
        %swap3A_280 = tpu.vector_load %arg6[%swap3A_279] {strides = array<i32>} : memref<4096xi32, #tpu.memory_space<vmem>>, vector<16xi32>,
        tpu.vector_store %arg6[%swap3A_279], %broadcast_in_dim3A_12 {strides = array<i32>} : memref<4096xi32, #tpu.memory_space<vmem>>, vector<16xi32>,
        %mul3A_281 = arith.constant 256 : i32
        %mul3A_282 = arith.muli %scan3A_262, %mul3A_281 : i32
        %add3A_283 = arith.constant 48 : i32
        %add3A_284 = arith.addi %mul3A_282, %add3A_283 : i32
        %swap3A_285 = arith.index_cast %add3A_284 : i32 to index
        %swap3A_286 = tpu.vector_load %arg6[%swap3A_285] {strides = array<i32>} : memref<4096xi32, #tpu.memory_space<vmem>>, vector<16xi32>,
        tpu.vector_store %arg6[%swap3A_285], %broadcast_in_dim3A_12 {strides = array<i32>} : memref<4096xi32, #tpu.memory_space<vmem>>, vector<16xi32>,
        %mul3A_287 = arith.constant 256 : i32
        %mul3A_288 = arith.muli %scan3A_262, %mul3A_287 : i32
        %add3A_289 = arith.constant 64 : i32
        %add3A_290 = arith.addi %mul3A_288, %add3A_289 : i32
        %swap3A_291 = arith.index_cast %add3A_290 : i32 to index
        %swap3A_292 = tpu.vector_load %arg6[%swap3A_291] {strides = array<i32>} : memref<4096xi32, #tpu.memory_space<vmem>>, vector<16xi32>,
        tpu.vector_store %arg6[%swap3A_291], %broadcast_in_dim3A_12 {strides = array<i32>} : memref<4096xi32, #tpu.memory_space<vmem>>, vector<16xi32>,
        %mul3A_293 = arith.constant 256 : i32
        %mul3A_294 = arith.muli %scan3A_262, %mul3A_293 : i32
        %add3A_295 = arith.constant 80 : i32
        %add3A_296 = arith.addi %mul3A_294, %add3A_295 : i32
        %swap3A_297 = arith.index_cast %add3A_296 : i32 to index
        %swap3A_298 = tpu.vector_load %arg6[%swap3A_297] {strides = array<i32>} : memref<4096xi32, #tpu.memory_space<vmem>>, vector<16xi32>,
        tpu.vector_store %arg6[%swap3A_297], %broadcast_in_dim3A_12 {strides = array<i32>} : memref<4096xi32, #tpu.memory_space<vmem>>, vector<16xi32>,
        %mul3A_299 = arith.constant 256 : i32
        %mul3A_300 = arith.muli %scan3A_262, %mul3A_299 : i32
        %add3A_301 = arith.constant 96 : i32
        %add3A_302 = arith.addi %mul3A_300, %add3A_301 : i32
        %swap3A_303 = arith.index_cast %add3A_302 : i32 to index
        %swap3A_304 = tpu.vector_load %arg6[%swap3A_303] {strides = array<i32>} : memref<4096xi32, #tpu.memory_space<vmem>>, vector<16xi32>,
        tpu.vector_store %arg6[%swap3A_303], %broadcast_in_dim3A_12 {strides = array<i32>} : memref<4096xi32, #tpu.memory_space<vmem>>, vector<16xi32>,
        %mul3A_305 = arith.constant 256 : i32
        %mul3A_306 = arith.muli %scan3A_262, %mul3A_305 : i32
        %add3A_307 = arith.constant 112 : i32
        %add3A_308 = arith.addi %mul3A_306, %add3A_307 : i32
        %swap3A_309 = arith.index_cast %add3A_308 : i32 to index
        %swap3A_310 = tpu.vector_load %arg6[%swap3A_309] {strides = array<i32>} : memref<4096xi32, #tpu.memory_space<vmem>>, vector<16xi32>,
        tpu.vector_store %arg6[%swap3A_309], %broadcast_in_dim3A_12 {strides = array<i32>} : memref<4096xi32, #tpu.memory_space<vmem>>, vector<16xi32>,
        %mul3A_311 = arith.constant 256 : i32
        %mul3A_312 = arith.muli %scan3A_262, %mul3A_311 : i32
        %add3A_313 = arith.constant 128 : i32
        %add3A_314 = arith.addi %mul3A_312, %add3A_313 : i32
        %swap3A_315 = arith.index_cast %add3A_314 : i32 to index
        %swap3A_316 = tpu.vector_load %arg6[%swap3A_315] {strides = array<i32>} : memref<4096xi32, #tpu.memory_space<vmem>>, vector<16xi32>,
        tpu.vector_store %arg6[%swap3A_315], %broadcast_in_dim3A_12 {strides = array<i32>} : memref<4096xi32, #tpu.memory_space<vmem>>, vector<16xi32>,
        %mul3A_317 = arith.constant 256 : i32
        %mul3A_318 = arith.muli %scan3A_262, %mul3A_317 : i32
        %add3A_319 = arith.constant 144 : i32
        %add3A_320 = arith.addi %mul3A_318, %add3A_319 : i32
        %swap3A_321 = arith.index_cast %add3A_320 : i32 to index
        %swap3A_322 = tpu.vector_load %arg6[%swap3A_321] {strides = array<i32>} : memref<4096xi32, #tpu.memory_space<vmem>>, vector<16xi32>,
        tpu.vector_store %arg6[%swap3A_321], %broadcast_in_dim3A_12 {strides = array<i32>} : memref<4096xi32, #tpu.memory_space<vmem>>, vector<16xi32>,
        %mul3A_323 = arith.constant 256 : i32
        %mul3A_324 = arith.muli %scan3A_262, %mul3A_323 : i32
        %add3A_325 = arith.constant 160 : i32
        %add3A_326 = arith.addi %mul3A_324, %add3A_325 : i32
        %swap3A_327 = arith.index_cast %add3A_326 : i32 to index
        %swap3A_328 = tpu.vector_load %arg6[%swap3A_327] {strides = array<i32>} : memref<4096xi32, #tpu.memory_space<vmem>>, vector<16xi32>,
        tpu.vector_store %arg6[%swap3A_327], %broadcast_in_dim3A_12 {strides = array<i32>} : memref<4096xi32, #tpu.memory_space<vmem>>, vector<16xi32>,
        %mul3A_329 = arith.constant 256 : i32
        %mul3A_330 = arith.muli %scan3A_262, %mul3A_329 : i32
        %add3A_331 = arith.constant 176 : i32
        %add3A_332 = arith.addi %mul3A_330, %add3A_331 : i32
        %swap3A_333 = arith.index_cast %add3A_332 : i32 to index
        %swap3A_334 = tpu.vector_load %arg6[%swap3A_333] {strides = array<i32>} : memref<4096xi32, #tpu.memory_space<vmem>>, vector<16xi32>,
        tpu.vector_store %arg6[%swap3A_333], %broadcast_in_dim3A_12 {strides = array<i32>} : memref<4096xi32, #tpu.memory_space<vmem>>, vector<16xi32>,
        %mul3A_335 = arith.constant 256 : i32
        %mul3A_336 = arith.muli %scan3A_262, %mul3A_335 : i32
        %add3A_337 = arith.constant 192 : i32
        %add3A_338 = arith.addi %mul3A_336, %add3A_337 : i32
        %swap3A_339 = arith.index_cast %add3A_338 : i32 to index
        %swap3A_340 = tpu.vector_load %arg6[%swap3A_339] {strides = array<i32>} : memref<4096xi32, #tpu.memory_space<vmem>>, vector<16xi32>,
        tpu.vector_store %arg6[%swap3A_339], %broadcast_in_dim3A_12 {strides = array<i32>} : memref<4096xi32, #tpu.memory_space<vmem>>, vector<16xi32>,
        %mul3A_341 = arith.constant 256 : i32
        %mul3A_342 = arith.muli %scan3A_262, %mul3A_341 : i32
        %add3A_343 = arith.constant 208 : i32
        %add3A_344 = arith.addi %mul3A_342, %add3A_343 : i32
        %swap3A_345 = arith.index_cast %add3A_344 : i32 to index
        %swap3A_346 = tpu.vector_load %arg6[%swap3A_345] {strides = array<i32>} : memref<4096xi32, #tpu.memory_space<vmem>>, vector<16xi32>,
        tpu.vector_store %arg6[%swap3A_345], %broadcast_in_dim3A_12 {strides = array<i32>} : memref<4096xi32, #tpu.memory_space<vmem>>, vector<16xi32>,
        %mul3A_347 = arith.constant 256 : i32
        %mul3A_348 = arith.muli %scan3A_262, %mul3A_347 : i32
        %add3A_349 = arith.constant 224 : i32
        %add3A_350 = arith.addi %mul3A_348, %add3A_349 : i32
        %swap3A_351 = arith.index_cast %add3A_350 : i32 to index
        %swap3A_352 = tpu.vector_load %arg6[%swap3A_351] {strides = array<i32>} : memref<4096xi32, #tpu.memory_space<vmem>>, vector<16xi32>,
        tpu.vector_store %arg6[%swap3A_351], %broadcast_in_dim3A_12 {strides = array<i32>} : memref<4096xi32, #tpu.memory_space<vmem>>, vector<16xi32>,
        %mul3A_353 = arith.constant 256 : i32
        %mul3A_354 = arith.muli %scan3A_262, %mul3A_353 : i32
        %add3A_355 = arith.constant 240 : i32
        %add3A_356 = arith.addi %mul3A_354, %add3A_355 : i32
        %swap3A_357 = arith.index_cast %add3A_356 : i32 to index
        %swap3A_358 = tpu.vector_load %arg6[%swap3A_357] {strides = array<i32>} : memref<4096xi32, #tpu.memory_space<vmem>>, vector<16xi32>,
        tpu.vector_store %arg6[%swap3A_357], %broadcast_in_dim3A_12 {strides = array<i32>} : memref<4096xi32, #tpu.memory_space<vmem>>, vector<16xi32>,
        %scan3A_359 = arith.constant 0 : i32
        scf.yield %scan3A_359 : i32
      }
      %scan3A_128 = arith.constant 16 : i32
      %scan3A_129 = arith.constant 0 : i32
      %scan3A_130 = arith.constant 0 : i32
      %scan3A_131 = arith.constant 32 : i32
      %scan3A_132 = arith.addi %scan3A_130, %scan3A_131 : i32
      %scan3A_133 = arith.constant 1 : i32
      %scan3A_134 = scf.for %scan3A_262 = %scan3A_130 to %scan3A_132 step %scan3A_133 iter_args(%scan3A_263 = %scan3A_129) -> (i32)  : i32 {
        %mul3A_264 = arith.constant 2 : i32
        %mul3A_265 = arith.muli %scan3A_262, %mul3A_264 : i32
        %add3A_266 = arith.constant 0 : i32
        %add3A_267 = arith.addi %mul3A_265, %add3A_266 : i32
        %mul3A_268 = arith.constant 64 : i32
        %mul3A_269 = arith.muli %add3A_267, %mul3A_268 : i32
        %add3A_270 = vector.broadcast %mul3A_269 : i32 to vector<16xi32>
        %add3A_271 = arith.addi %shift_left3A_6, %add3A_270 : vector<16xi32>
        %mul3A_272 = arith.constant 16 : i32
        %mul3A_273 = arith.muli %add3A_267, %mul3A_272 : i32
        %get3A = arith.constant 0 : i32
        %get3A_274 = arith.index_cast %get3A : i32 to index
        %get3A_275 = arith.index_cast %mul3A_273 : i32 to index
        %get3A_276 = tpu.vector_load %arg4[%get3A_274, %get3A_275] {strides = array<i32>} : memref<8x1024xi32, #tpu.memory_space<vmem>>, vector<16xi32>,
        %add3A_277 = arith.addi %add3A_271, %get3A_276 : vector<16xi32>
        %mul3A_278 = arith.constant 16 : i32
        %mul3A_279 = arith.muli %add3A_267, %mul3A_278 : i32
        %get3A_280 = arith.constant 1 : i32
        %get3A_281 = arith.index_cast %get3A_280 : i32 to index
        %get3A_282 = arith.index_cast %mul3A_279 : i32 to index
        %get3A_283 = tpu.vector_load %arg4[%get3A_281, %get3A_282] {strides = array<i32>} : memref<8x1024xi32, #tpu.memory_space<vmem>>, vector<16xi32>,
        %add3A_284 = arith.addi %add3A_271, %get3A_283 : vector<16xi32>
        %mul3A_285 = arith.constant 16 : i32
        %mul3A_286 = arith.muli %add3A_267, %mul3A_285 : i32
        %get3A_287 = arith.constant 2 : i32
        %get3A_288 = arith.index_cast %get3A_287 : i32 to index
        %get3A_289 = arith.index_cast %mul3A_286 : i32 to index
        %get3A_290 = tpu.vector_load %arg4[%get3A_288, %get3A_289] {strides = array<i32>} : memref<8x1024xi32, #tpu.memory_space<vmem>>, vector<16xi32>,
        %add3A_291 = arith.addi %add3A_271, %get3A_290 : vector<16xi32>
        %mul3A_292 = arith.constant 16 : i32
        %mul3A_293 = arith.muli %add3A_267, %mul3A_292 : i32
        %get3A_294 = arith.constant 3 : i32
        %get3A_295 = arith.index_cast %get3A_294 : i32 to index
        %get3A_296 = arith.index_cast %mul3A_293 : i32 to index
        %get3A_297 = tpu.vector_load %arg4[%get3A_295, %get3A_296] {strides = array<i32>} : memref<8x1024xi32, #tpu.memory_space<vmem>>, vector<16xi32>,
        %add3A_298 = arith.addi %add3A_271, %get3A_297 : vector<16xi32>
        %mul3A_299 = arith.constant 16 : i32
        %mul3A_300 = arith.muli %add3A_267, %mul3A_299 : i32
        %get3A_301 = arith.constant 4 : i32
        %get3A_302 = arith.index_cast %get3A_301 : i32 to index
        %get3A_303 = arith.index_cast %mul3A_300 : i32 to index
        %get3A_304 = tpu.vector_load %arg4[%get3A_302, %get3A_303] {strides = array<i32>} : memref<8x1024xi32, #tpu.memory_space<vmem>>, vector<16xi32>,
        %add3A_305 = arith.addi %add3A_271, %get3A_304 : vector<16xi32>
        %mul3A_306 = arith.constant 16 : i32
        %mul3A_307 = arith.muli %add3A_267, %mul3A_306 : i32
        %get3A_308 = arith.constant 5 : i32
        %get3A_309 = arith.index_cast %get3A_308 : i32 to index
        %get3A_310 = arith.index_cast %mul3A_307 : i32 to index
        %get3A_311 = tpu.vector_load %arg4[%get3A_309, %get3A_310] {strides = array<i32>} : memref<8x1024xi32, #tpu.memory_space<vmem>>, vector<16xi32>,
        %add3A_312 = arith.addi %add3A_271, %get3A_311 : vector<16xi32>
        %mul3A_313 = arith.constant 16 : i32
        %mul3A_314 = arith.muli %add3A_267, %mul3A_313 : i32
        %get3A_315 = arith.constant 6 : i32
        %get3A_316 = arith.index_cast %get3A_315 : i32 to index
        %get3A_317 = arith.index_cast %mul3A_314 : i32 to index
        %get3A_318 = tpu.vector_load %arg4[%get3A_316, %get3A_317] {strides = array<i32>} : memref<8x1024xi32, #tpu.memory_space<vmem>>, vector<16xi32>,
        %add3A_319 = arith.addi %add3A_271, %get3A_318 : vector<16xi32>
        %mul3A_320 = arith.constant 16 : i32
        %mul3A_321 = arith.muli %add3A_267, %mul3A_320 : i32
        %get3A_322 = arith.constant 7 : i32
        %get3A_323 = arith.index_cast %get3A_322 : i32 to index
        %get3A_324 = arith.index_cast %mul3A_321 : i32 to index
        %get3A_325 = tpu.vector_load %arg4[%get3A_323, %get3A_324] {strides = array<i32>} : memref<8x1024xi32, #tpu.memory_space<vmem>>, vector<16xi32>,
        %add3A_326 = arith.addi %add3A_271, %get3A_325 : vector<16xi32>
        %mul3A_327 = arith.constant 2 : i32
        %mul3A_328 = arith.muli %scan3A_262, %mul3A_327 : i32
        %add3A_329 = arith.constant 1 : i32
        %add3A_330 = arith.addi %mul3A_328, %add3A_329 : i32
        %mul3A_331 = arith.constant 64 : i32
        %mul3A_332 = arith.muli %add3A_330, %mul3A_331 : i32
        %add3A_333 = vector.broadcast %mul3A_332 : i32 to vector<16xi32>
        %add3A_334 = arith.addi %shift_left3A_6, %add3A_333 : vector<16xi32>
        %mul3A_335 = arith.constant 16 : i32
        %mul3A_336 = arith.muli %add3A_330, %mul3A_335 : i32
        %get3A_337 = arith.constant 0 : i32
        %get3A_338 = arith.index_cast %get3A_337 : i32 to index
        %get3A_339 = arith.index_cast %mul3A_336 : i32 to index
        %get3A_340 = tpu.vector_load %arg4[%get3A_338, %get3A_339] {strides = array<i32>} : memref<8x1024xi32, #tpu.memory_space<vmem>>, vector<16xi32>,
        %add3A_341 = arith.addi %add3A_334, %get3A_340 : vector<16xi32>
        %mul3A_342 = arith.constant 16 : i32
        %mul3A_343 = arith.muli %add3A_330, %mul3A_342 : i32
        %get3A_344 = arith.constant 1 : i32
        %get3A_345 = arith.index_cast %get3A_344 : i32 to index
        %get3A_346 = arith.index_cast %mul3A_343 : i32 to index
        %get3A_347 = tpu.vector_load %arg4[%get3A_345, %get3A_346] {strides = array<i32>} : memref<8x1024xi32, #tpu.memory_space<vmem>>, vector<16xi32>,
        %add3A_348 = arith.addi %add3A_334, %get3A_347 : vector<16xi32>
        %mul3A_349 = arith.constant 16 : i32
        %mul3A_350 = arith.muli %add3A_330, %mul3A_349 : i32
        %get3A_351 = arith.constant 2 : i32
        %get3A_352 = arith.index_cast %get3A_351 : i32 to index
        %get3A_353 = arith.index_cast %mul3A_350 : i32 to index
        %get3A_354 = tpu.vector_load %arg4[%get3A_352, %get3A_353] {strides = array<i32>} : memref<8x1024xi32, #tpu.memory_space<vmem>>, vector<16xi32>,
        %add3A_355 = arith.addi %add3A_334, %get3A_354 : vector<16xi32>
        %mul3A_356 = arith.constant 16 : i32
        %mul3A_357 = arith.muli %add3A_330, %mul3A_356 : i32
        %get3A_358 = arith.constant 3 : i32
        %get3A_359 = arith.index_cast %get3A_358 : i32 to index
        %get3A_360 = arith.index_cast %mul3A_357 : i32 to index
        %get3A_361 = tpu.vector_load %arg4[%get3A_359, %get3A_360] {strides = array<i32>} : memref<8x1024xi32, #tpu.memory_space<vmem>>, vector<16xi32>,
        %add3A_362 = arith.addi %add3A_334, %get3A_361 : vector<16xi32>
        %mul3A_363 = arith.constant 16 : i32
        %mul3A_364 = arith.muli %add3A_330, %mul3A_363 : i32
        %get3A_365 = arith.constant 4 : i32
        %get3A_366 = arith.index_cast %get3A_365 : i32 to index
        %get3A_367 = arith.index_cast %mul3A_364 : i32 to index
        %get3A_368 = tpu.vector_load %arg4[%get3A_366, %get3A_367] {strides = array<i32>} : memref<8x1024xi32, #tpu.memory_space<vmem>>, vector<16xi32>,
        %add3A_369 = arith.addi %add3A_334, %get3A_368 : vector<16xi32>
        %mul3A_370 = arith.constant 16 : i32
        %mul3A_371 = arith.muli %add3A_330, %mul3A_370 : i32
        %get3A_372 = arith.constant 5 : i32
        %get3A_373 = arith.index_cast %get3A_372 : i32 to index
        %get3A_374 = arith.index_cast %mul3A_371 : i32 to index
        %get3A_375 = tpu.vector_load %arg4[%get3A_373, %get3A_374] {strides = array<i32>} : memref<8x1024xi32, #tpu.memory_space<vmem>>, vector<16xi32>,
        %add3A_376 = arith.addi %add3A_334, %get3A_375 : vector<16xi32>
        %mul3A_377 = arith.constant 16 : i32
        %mul3A_378 = arith.muli %add3A_330, %mul3A_377 : i32
        %get3A_379 = arith.constant 6 : i32
        %get3A_380 = arith.index_cast %get3A_379 : i32 to index
        %get3A_381 = arith.index_cast %mul3A_378 : i32 to index
        %get3A_382 = tpu.vector_load %arg4[%get3A_380, %get3A_381] {strides = array<i32>} : memref<8x1024xi32, #tpu.memory_space<vmem>>, vector<16xi32>,
        %add3A_383 = arith.addi %add3A_334, %get3A_382 : vector<16xi32>
        %mul3A_384 = arith.constant 16 : i32
        %mul3A_385 = arith.muli %add3A_330, %mul3A_384 : i32
        %get3A_386 = arith.constant 7 : i32
        %get3A_387 = arith.index_cast %get3A_386 : i32 to index
        %get3A_388 = arith.index_cast %mul3A_385 : i32 to index
        %get3A_389 = tpu.vector_load %arg4[%get3A_387, %get3A_388] {strides = array<i32>} : memref<8x1024xi32, #tpu.memory_space<vmem>>, vector<16xi32>,
        %add3A_390 = arith.addi %add3A_334, %get3A_389 : vector<16xi32>
        tpu.vector_store_idx %arg6[%add3A_277], %broadcast_in_dim3A_10 {add = true} : memref<4096xi32, #tpu.memory_space<vmem>>[vector<16xi32>], vector<16xi32>,
        tpu.vector_store_idx %arg6[%add3A_284], %broadcast_in_dim3A_10 {add = true} : memref<4096xi32, #tpu.memory_space<vmem>>[vector<16xi32>], vector<16xi32>,
        tpu.vector_store_idx %arg6[%add3A_291], %broadcast_in_dim3A_10 {add = true} : memref<4096xi32, #tpu.memory_space<vmem>>[vector<16xi32>], vector<16xi32>,
        tpu.vector_store_idx %arg6[%add3A_298], %broadcast_in_dim3A_10 {add = true} : memref<4096xi32, #tpu.memory_space<vmem>>[vector<16xi32>], vector<16xi32>,
        tpu.vector_store_idx %arg6[%add3A_305], %broadcast_in_dim3A_10 {add = true} : memref<4096xi32, #tpu.memory_space<vmem>>[vector<16xi32>], vector<16xi32>,
        tpu.vector_store_idx %arg6[%add3A_312], %broadcast_in_dim3A_10 {add = true} : memref<4096xi32, #tpu.memory_space<vmem>>[vector<16xi32>], vector<16xi32>,
        tpu.vector_store_idx %arg6[%add3A_319], %broadcast_in_dim3A_10 {add = true} : memref<4096xi32, #tpu.memory_space<vmem>>[vector<16xi32>], vector<16xi32>,
        tpu.vector_store_idx %arg6[%add3A_326], %broadcast_in_dim3A_10 {add = true} : memref<4096xi32, #tpu.memory_space<vmem>>[vector<16xi32>], vector<16xi32>,
        tpu.vector_store_idx %arg6[%add3A_341], %broadcast_in_dim3A_10 {add = true} : memref<4096xi32, #tpu.memory_space<vmem>>[vector<16xi32>], vector<16xi32>,
        tpu.vector_store_idx %arg6[%add3A_348], %broadcast_in_dim3A_10 {add = true} : memref<4096xi32, #tpu.memory_space<vmem>>[vector<16xi32>], vector<16xi32>,
        tpu.vector_store_idx %arg6[%add3A_355], %broadcast_in_dim3A_10 {add = true} : memref<4096xi32, #tpu.memory_space<vmem>>[vector<16xi32>], vector<16xi32>,
        tpu.vector_store_idx %arg6[%add3A_362], %broadcast_in_dim3A_10 {add = true} : memref<4096xi32, #tpu.memory_space<vmem>>[vector<16xi32>], vector<16xi32>,
        tpu.vector_store_idx %arg6[%add3A_369], %broadcast_in_dim3A_10 {add = true} : memref<4096xi32, #tpu.memory_space<vmem>>[vector<16xi32>], vector<16xi32>,
        tpu.vector_store_idx %arg6[%add3A_376], %broadcast_in_dim3A_10 {add = true} : memref<4096xi32, #tpu.memory_space<vmem>>[vector<16xi32>], vector<16xi32>,
        tpu.vector_store_idx %arg6[%add3A_383], %broadcast_in_dim3A_10 {add = true} : memref<4096xi32, #tpu.memory_space<vmem>>[vector<16xi32>], vector<16xi32>,
        tpu.vector_store_idx %arg6[%add3A_390], %broadcast_in_dim3A_10 {add = true} : memref<4096xi32, #tpu.memory_space<vmem>>[vector<16xi32>], vector<16xi32>,
        %scan3A_391 = arith.constant 0 : i32
        scf.yield %scan3A_391 : i32
      }
      %scan3A_135 = arith.constant 32 : i32
      %scan3A_136 = arith.constant 0 : i32
      %scan3A_137 = arith.constant 0 : i32
      %scan3A_138 = arith.constant 8 : i32
      %scan3A_139 = arith.addi %scan3A_137, %scan3A_138 : i32
      %scan3A_140 = arith.constant 1 : i32
      %scan3A_141 = scf.for %scan3A_262 = %scan3A_137 to %scan3A_139 step %scan3A_140 iter_args(%scan3A_263 = %scan3A_136) -> (i32)  : i32 {
        %mul3A_264 = arith.constant 16 : i32
        %mul3A_265 = arith.muli %scan3A_262, %mul3A_264 : i32
        %mul3A_266 = arith.constant 512 : i32
        %mul3A_267 = arith.muli %scan3A_262, %mul3A_266 : i32
        %add3A_268 = vector.broadcast %mul3A_267 : i32 to vector<16xi32>
        %add3A_269 = arith.addi %shift_left3A_9, %add3A_268 : vector<16xi32>
        %add3A_270 = arith.constant 0 : i32
        %add3A_271 = vector.broadcast %add3A_270 : i32 to vector<16xi32>
        %add3A_272 = arith.addi %add3A_269, %add3A_271 : vector<16xi32>
        %gather3A = tpu.vector_load_idx %arg6[%add3A_272] : memref<4096xi32, #tpu.memory_space<vmem>>[vector<16xi32>], vector<16xi32>,
        %mul3A_273 = arith.constant 32 : i32
        %mul3A_274 = vector.broadcast %mul3A_273 : i32 to vector<16xi32>
        %mul3A_275 = arith.muli %gather3A, %mul3A_274 : vector<16xi32>
        %add3A_276 = arith.constant 31 : i32
        %add3A_277 = vector.broadcast %add3A_276 : i32 to vector<16xi32>
        %add3A_278 = arith.addi %mul3A_275, %add3A_277 : vector<16xi32>
        %add3A_279 = arith.constant 1 : i32
        %add3A_280 = vector.broadcast %add3A_279 : i32 to vector<16xi32>
        %add3A_281 = arith.addi %add3A_269, %add3A_280 : vector<16xi32>
        %gather3A_282 = tpu.vector_load_idx %arg6[%add3A_281] : memref<4096xi32, #tpu.memory_space<vmem>>[vector<16xi32>], vector<16xi32>,
        %mul3A_283 = arith.constant 32 : i32
        %mul3A_284 = vector.broadcast %mul3A_283 : i32 to vector<16xi32>
        %mul3A_285 = arith.muli %gather3A_282, %mul3A_284 : vector<16xi32>
        %add3A_286 = arith.constant 30 : i32
        %add3A_287 = vector.broadcast %add3A_286 : i32 to vector<16xi32>
        %add3A_288 = arith.addi %mul3A_285, %add3A_287 : vector<16xi32>
        %add3A_289 = arith.constant 2 : i32
        %add3A_290 = vector.broadcast %add3A_289 : i32 to vector<16xi32>
        %add3A_291 = arith.addi %add3A_269, %add3A_290 : vector<16xi32>
        %gather3A_292 = tpu.vector_load_idx %arg6[%add3A_291] : memref<4096xi32, #tpu.memory_space<vmem>>[vector<16xi32>], vector<16xi32>,
        %mul3A_293 = arith.constant 32 : i32
        %mul3A_294 = vector.broadcast %mul3A_293 : i32 to vector<16xi32>
        %mul3A_295 = arith.muli %gather3A_292, %mul3A_294 : vector<16xi32>
        %add3A_296 = arith.constant 29 : i32
        %add3A_297 = vector.broadcast %add3A_296 : i32 to vector<16xi32>
        %add3A_298 = arith.addi %mul3A_295, %add3A_297 : vector<16xi32>
        %add3A_299 = arith.constant 3 : i32
        %add3A_300 = vector.broadcast %add3A_299 : i32 to vector<16xi32>
        %add3A_301 = arith.addi %add3A_269, %add3A_300 : vector<16xi32>
        %gather3A_302 = tpu.vector_load_idx %arg6[%add3A_301] : memref<4096xi32, #tpu.memory_space<vmem>>[vector<16xi32>], vector<16xi32>,
        %mul3A_303 = arith.constant 32 : i32
        %mul3A_304 = vector.broadcast %mul3A_303 : i32 to vector<16xi32>
        %mul3A_305 = arith.muli %gather3A_302, %mul3A_304 : vector<16xi32>
        %add3A_306 = arith.constant 28 : i32
        %add3A_307 = vector.broadcast %add3A_306 : i32 to vector<16xi32>
        %add3A_308 = arith.addi %mul3A_305, %add3A_307 : vector<16xi32>
        %add3A_309 = arith.constant 4 : i32
        %add3A_310 = vector.broadcast %add3A_309 : i32 to vector<16xi32>
        %add3A_311 = arith.addi %add3A_269, %add3A_310 : vector<16xi32>
        %gather3A_312 = tpu.vector_load_idx %arg6[%add3A_311] : memref<4096xi32, #tpu.memory_space<vmem>>[vector<16xi32>], vector<16xi32>,
        %mul3A_313 = arith.constant 32 : i32
        %mul3A_314 = vector.broadcast %mul3A_313 : i32 to vector<16xi32>
        %mul3A_315 = arith.muli %gather3A_312, %mul3A_314 : vector<16xi32>
        %add3A_316 = arith.constant 27 : i32
        %add3A_317 = vector.broadcast %add3A_316 : i32 to vector<16xi32>
        %add3A_318 = arith.addi %mul3A_315, %add3A_317 : vector<16xi32>
        %add3A_319 = arith.constant 5 : i32
        %add3A_320 = vector.broadcast %add3A_319 : i32 to vector<16xi32>
        %add3A_321 = arith.addi %add3A_269, %add3A_320 : vector<16xi32>
        %gather3A_322 = tpu.vector_load_idx %arg6[%add3A_321] : memref<4096xi32, #tpu.memory_space<vmem>>[vector<16xi32>], vector<16xi32>,
        %mul3A_323 = arith.constant 320 : i32
        %mul3A_324 = vector.broadcast %mul3A_323 : i32 to vector<16xi32>
        %mul3A_325 = arith.muli %gather3A_322, %mul3A_324 : vector<16xi32>
        %add3A_326 = arith.constant 26 : i32
        %add3A_327 = vector.broadcast %add3A_326 : i32 to vector<16xi32>
        %add3A_328 = arith.addi %mul3A_325, %add3A_327 : vector<16xi32>
        %add3A_329 = arith.constant 6 : i32
        %add3A_330 = vector.broadcast %add3A_329 : i32 to vector<16xi32>
        %add3A_331 = arith.addi %add3A_269, %add3A_330 : vector<16xi32>
        %gather3A_332 = tpu.vector_load_idx %arg6[%add3A_331] : memref<4096xi32, #tpu.memory_space<vmem>>[vector<16xi32>], vector<16xi32>,
        %mul3A_333 = arith.constant 320 : i32
        %mul3A_334 = vector.broadcast %mul3A_333 : i32 to vector<16xi32>
        %mul3A_335 = arith.muli %gather3A_332, %mul3A_334 : vector<16xi32>
        %add3A_336 = arith.constant 25 : i32
        %add3A_337 = vector.broadcast %add3A_336 : i32 to vector<16xi32>
        %add3A_338 = arith.addi %mul3A_335, %add3A_337 : vector<16xi32>
        %add3A_339 = arith.constant 7 : i32
        %add3A_340 = vector.broadcast %add3A_339 : i32 to vector<16xi32>
        %add3A_341 = arith.addi %add3A_269, %add3A_340 : vector<16xi32>
        %gather3A_342 = tpu.vector_load_idx %arg6[%add3A_341] : memref<4096xi32, #tpu.memory_space<vmem>>[vector<16xi32>], vector<16xi32>,
        %mul3A_343 = arith.constant 320 : i32
        %mul3A_344 = vector.broadcast %mul3A_343 : i32 to vector<16xi32>
        %mul3A_345 = arith.muli %gather3A_342, %mul3A_344 : vector<16xi32>
        %add3A_346 = arith.constant 24 : i32
        %add3A_347 = vector.broadcast %add3A_346 : i32 to vector<16xi32>
        %add3A_348 = arith.addi %mul3A_345, %add3A_347 : vector<16xi32>
        %add3A_349 = arith.constant 8 : i32
        %add3A_350 = vector.broadcast %add3A_349 : i32 to vector<16xi32>
        %add3A_351 = arith.addi %add3A_269, %add3A_350 : vector<16xi32>
        %gather3A_352 = tpu.vector_load_idx %arg6[%add3A_351] : memref<4096xi32, #tpu.memory_space<vmem>>[vector<16xi32>], vector<16xi32>,
        %mul3A_353 = arith.constant 32 : i32
        %mul3A_354 = vector.broadcast %mul3A_353 : i32 to vector<16xi32>
        %mul3A_355 = arith.muli %gather3A_352, %mul3A_354 : vector<16xi32>
        %add3A_356 = arith.constant 23 : i32
        %add3A_357 = vector.broadcast %add3A_356 : i32 to vector<16xi32>
        %add3A_358 = arith.addi %mul3A_355, %add3A_357 : vector<16xi32>
        %add3A_359 = arith.constant 9 : i32
        %add3A_360 = vector.broadcast %add3A_359 : i32 to vector<16xi32>
        %add3A_361 = arith.addi %add3A_269, %add3A_360 : vector<16xi32>
        %gather3A_362 = tpu.vector_load_idx %arg6[%add3A_361] : memref<4096xi32, #tpu.memory_space<vmem>>[vector<16xi32>], vector<16xi32>,
        %mul3A_363 = arith.constant 32 : i32
        %mul3A_364 = vector.broadcast %mul3A_363 : i32 to vector<16xi32>
        %mul3A_365 = arith.muli %gather3A_362, %mul3A_364 : vector<16xi32>
        %add3A_366 = arith.constant 22 : i32
        %add3A_367 = vector.broadcast %add3A_366 : i32 to vector<16xi32>
        %add3A_368 = arith.addi %mul3A_365, %add3A_367 : vector<16xi32>
        %add3A_369 = arith.constant 10 : i32
        %add3A_370 = vector.broadcast %add3A_369 : i32 to vector<16xi32>
        %add3A_371 = arith.addi %add3A_269, %add3A_370 : vector<16xi32>
        %gather3A_372 = tpu.vector_load_idx %arg6[%add3A_371] : memref<4096xi32, #tpu.memory_space<vmem>>[vector<16xi32>], vector<16xi32>,
        %mul3A_373 = arith.constant 32 : i32
        %mul3A_374 = vector.broadcast %mul3A_373 : i32 to vector<16xi32>
        %mul3A_375 = arith.muli %gather3A_372, %mul3A_374 : vector<16xi32>
        %add3A_376 = arith.constant 21 : i32
        %add3A_377 = vector.broadcast %add3A_376 : i32 to vector<16xi32>
        %add3A_378 = arith.addi %mul3A_375, %add3A_377 : vector<16xi32>
        %add3A_379 = arith.constant 11 : i32
        %add3A_380 = vector.broadcast %add3A_379 : i32 to vector<16xi32>
        %add3A_381 = arith.addi %add3A_269, %add3A_380 : vector<16xi32>
        %gather3A_382 = tpu.vector_load_idx %arg6[%add3A_381] : memref<4096xi32, #tpu.memory_space<vmem>>[vector<16xi32>], vector<16xi32>,
        %mul3A_383 = arith.constant 320 : i32
        %mul3A_384 = vector.broadcast %mul3A_383 : i32 to vector<16xi32>
        %mul3A_385 = arith.muli %gather3A_382, %mul3A_384 : vector<16xi32>
        %add3A_386 = arith.constant 20 : i32
        %add3A_387 = vector.broadcast %add3A_386 : i32 to vector<16xi32>
        %add3A_388 = arith.addi %mul3A_385, %add3A_387 : vector<16xi32>
        %add3A_389 = arith.constant 12 : i32
        %add3A_390 = vector.broadcast %add3A_389 : i32 to vector<16xi32>
        %add3A_391 = arith.addi %add3A_269, %add3A_390 : vector<16xi32>
        %gather3A_392 = tpu.vector_load_idx %arg6[%add3A_391] : memref<4096xi32, #tpu.memory_space<vmem>>[vector<16xi32>], vector<16xi32>,
        %mul3A_393 = arith.constant 320 : i32
        %mul3A_394 = vector.broadcast %mul3A_393 : i32 to vector<16xi32>
        %mul3A_395 = arith.muli %gather3A_392, %mul3A_394 : vector<16xi32>
        %add3A_396 = arith.constant 19 : i32
        %add3A_397 = vector.broadcast %add3A_396 : i32 to vector<16xi32>
        %add3A_398 = arith.addi %mul3A_395, %add3A_397 : vector<16xi32>
        %add3A_399 = arith.constant 13 : i32
        %add3A_400 = vector.broadcast %add3A_399 : i32 to vector<16xi32>
        %add3A_401 = arith.addi %add3A_269, %add3A_400 : vector<16xi32>
        %gather3A_402 = tpu.vector_load_idx %arg6[%add3A_401] : memref<4096xi32, #tpu.memory_space<vmem>>[vector<16xi32>], vector<16xi32>,
        %mul3A_403 = arith.constant 320 : i32
        %mul3A_404 = vector.broadcast %mul3A_403 : i32 to vector<16xi32>
        %mul3A_405 = arith.muli %gather3A_402, %mul3A_404 : vector<16xi32>
        %add3A_406 = arith.constant 18 : i32
        %add3A_407 = vector.broadcast %add3A_406 : i32 to vector<16xi32>
        %add3A_408 = arith.addi %mul3A_405, %add3A_407 : vector<16xi32>
        %add3A_409 = arith.constant 14 : i32
        %add3A_410 = vector.broadcast %add3A_409 : i32 to vector<16xi32>
        %add3A_411 = arith.addi %add3A_269, %add3A_410 : vector<16xi32>
        %gather3A_412 = tpu.vector_load_idx %arg6[%add3A_411] : memref<4096xi32, #tpu.memory_space<vmem>>[vector<16xi32>], vector<16xi32>,
        %mul3A_413 = arith.constant 320 : i32
        %mul3A_414 = vector.broadcast %mul3A_413 : i32 to vector<16xi32>
        %mul3A_415 = arith.muli %gather3A_412, %mul3A_414 : vector<16xi32>
        %add3A_416 = arith.constant 17 : i32
        %add3A_417 = vector.broadcast %add3A_416 : i32 to vector<16xi32>
        %add3A_418 = arith.addi %mul3A_415, %add3A_417 : vector<16xi32>
        %add3A_419 = arith.constant 15 : i32
        %add3A_420 = vector.broadcast %add3A_419 : i32 to vector<16xi32>
        %add3A_421 = arith.addi %add3A_269, %add3A_420 : vector<16xi32>
        %gather3A_422 = tpu.vector_load_idx %arg6[%add3A_421] : memref<4096xi32, #tpu.memory_space<vmem>>[vector<16xi32>], vector<16xi32>,
        %mul3A_423 = arith.constant 320 : i32
        %mul3A_424 = vector.broadcast %mul3A_423 : i32 to vector<16xi32>
        %mul3A_425 = arith.muli %gather3A_422, %mul3A_424 : vector<16xi32>
        %add3A_426 = arith.constant 16 : i32
        %add3A_427 = vector.broadcast %add3A_426 : i32 to vector<16xi32>
        %add3A_428 = arith.addi %mul3A_425, %add3A_427 : vector<16xi32>
        %add3A_429 = arith.constant 16 : i32
        %add3A_430 = vector.broadcast %add3A_429 : i32 to vector<16xi32>
        %add3A_431 = arith.addi %add3A_269, %add3A_430 : vector<16xi32>
        %gather3A_432 = tpu.vector_load_idx %arg6[%add3A_431] : memref<4096xi32, #tpu.memory_space<vmem>>[vector<16xi32>], vector<16xi32>,
        %mul3A_433 = arith.constant 320 : i32
        %mul3A_434 = vector.broadcast %mul3A_433 : i32 to vector<16xi32>
        %mul3A_435 = arith.muli %gather3A_432, %mul3A_434 : vector<16xi32>
        %add3A_436 = arith.constant 15 : i32
        %add3A_437 = vector.broadcast %add3A_436 : i32 to vector<16xi32>
        %add3A_438 = arith.addi %mul3A_435, %add3A_437 : vector<16xi32>
        %add3A_439 = arith.constant 17 : i32
        %add3A_440 = vector.broadcast %add3A_439 : i32 to vector<16xi32>
        %add3A_441 = arith.addi %add3A_269, %add3A_440 : vector<16xi32>
        %gather3A_442 = tpu.vector_load_idx %arg6[%add3A_441] : memref<4096xi32, #tpu.memory_space<vmem>>[vector<16xi32>], vector<16xi32>,
        %mul3A_443 = arith.constant 320 : i32
        %mul3A_444 = vector.broadcast %mul3A_443 : i32 to vector<16xi32>
        %mul3A_445 = arith.muli %gather3A_442, %mul3A_444 : vector<16xi32>
        %add3A_446 = arith.constant 14 : i32
        %add3A_447 = vector.broadcast %add3A_446 : i32 to vector<16xi32>
        %add3A_448 = arith.addi %mul3A_445, %add3A_447 : vector<16xi32>
        %add3A_449 = arith.constant 18 : i32
        %add3A_450 = vector.broadcast %add3A_449 : i32 to vector<16xi32>
        %add3A_451 = arith.addi %add3A_269, %add3A_450 : vector<16xi32>
        %gather3A_452 = tpu.vector_load_idx %arg6[%add3A_451] : memref<4096xi32, #tpu.memory_space<vmem>>[vector<16xi32>], vector<16xi32>,
        %mul3A_453 = arith.constant 320 : i32
        %mul3A_454 = vector.broadcast %mul3A_453 : i32 to vector<16xi32>
        %mul3A_455 = arith.muli %gather3A_452, %mul3A_454 : vector<16xi32>
        %add3A_456 = arith.constant 13 : i32
        %add3A_457 = vector.broadcast %add3A_456 : i32 to vector<16xi32>
        %add3A_458 = arith.addi %mul3A_455, %add3A_457 : vector<16xi32>
        %add3A_459 = arith.constant 19 : i32
        %add3A_460 = vector.broadcast %add3A_459 : i32 to vector<16xi32>
        %add3A_461 = arith.addi %add3A_269, %add3A_460 : vector<16xi32>
        %gather3A_462 = tpu.vector_load_idx %arg6[%add3A_461] : memref<4096xi32, #tpu.memory_space<vmem>>[vector<16xi32>], vector<16xi32>,
        %mul3A_463 = arith.constant 32 : i32
        %mul3A_464 = vector.broadcast %mul3A_463 : i32 to vector<16xi32>
        %mul3A_465 = arith.muli %gather3A_462, %mul3A_464 : vector<16xi32>
        %add3A_466 = arith.constant 12 : i32
        %add3A_467 = vector.broadcast %add3A_466 : i32 to vector<16xi32>
        %add3A_468 = arith.addi %mul3A_465, %add3A_467 : vector<16xi32>
        %max3A = arith.maxsi %add3A_278, %add3A_288 : vector<16xi32>
        %max3A_469 = arith.maxsi %add3A_298, %add3A_308 : vector<16xi32>
        %max3A_470 = arith.maxsi %add3A_318, %add3A_328 : vector<16xi32>
        %max3A_471 = arith.maxsi %add3A_338, %add3A_348 : vector<16xi32>
        %max3A_472 = arith.maxsi %add3A_358, %add3A_368 : vector<16xi32>
        %max3A_473 = arith.maxsi %add3A_378, %add3A_388 : vector<16xi32>
        %max3A_474 = arith.maxsi %add3A_398, %add3A_408 : vector<16xi32>
        %max3A_475 = arith.maxsi %add3A_418, %add3A_428 : vector<16xi32>
        %max3A_476 = arith.maxsi %add3A_438, %add3A_448 : vector<16xi32>
        %max3A_477 = arith.maxsi %add3A_458, %add3A_468 : vector<16xi32>
        %max3A_478 = arith.maxsi %max3A, %max3A_469 : vector<16xi32>
        %max3A_479 = arith.maxsi %max3A_470, %max3A_471 : vector<16xi32>
        %max3A_480 = arith.maxsi %max3A_472, %max3A_473 : vector<16xi32>
        %max3A_481 = arith.maxsi %max3A_474, %max3A_475 : vector<16xi32>
        %max3A_482 = arith.maxsi %max3A_476, %max3A_477 : vector<16xi32>
        %max3A_483 = arith.maxsi %max3A_478, %max3A_479 : vector<16xi32>
        %max3A_484 = arith.maxsi %max3A_480, %max3A_481 : vector<16xi32>
        %max3A_485 = arith.maxsi %max3A_483, %max3A_484 : vector<16xi32>
        %max3A_486 = arith.maxsi %max3A_485, %max3A_482 : vector<16xi32>
        %and3A_487 = arith.constant 31 : i32
        %and3A_488 = vector.broadcast %and3A_487 : i32 to vector<16xi32>
        %and3A_489 = arith.andi %max3A_486, %and3A_488 : vector<16xi32>
        %sub3A_490 = arith.constant 31 : i32
        %sub3A_491 = vector.broadcast %sub3A_490 : i32 to vector<16xi32>
        %sub3A_492 = arith.subi %sub3A_491, %and3A_489 : vector<16xi32>
        %swap3A = arith.index_cast %mul3A_265 : i32 to index
        %swap3A_493 = tpu.vector_load %arg7[%swap3A] {strides = array<i32>} : memref<128xi32, #tpu.memory_space<vmem>>, vector<16xi32>,
        tpu.vector_store %arg7[%swap3A], %sub3A_492 {strides = array<i32>} : memref<128xi32, #tpu.memory_space<vmem>>, vector<16xi32>,
        %scan3A_494 = arith.constant 0 : i32
        scf.yield %scan3A_494 : i32
      }
      %scan3A_142 = arith.constant 8 : i32
      %jit3A_143 = arith.constant 64 : i32
      %div3A_144 = arith.divsi %add3A_121, %jit3A_143 : i32
      %sign3A_145 = arith.constant 0 : i32
      %sign3A_146 = arith.cmpi sgt, %add3A_121, %sign3A_145 : i32
      %sign3A_147 = arith.extui %sign3A_146 : i1 to i32
      %sign3A_148 = arith.constant 0 : i32
      %sign3A_149 = arith.cmpi slt, %add3A_121, %sign3A_148 : i32
      %sign3A_150 = arith.extui %sign3A_149 : i1 to i32
      %sign3A_151 = arith.subi %sign3A_147, %sign3A_150 : i32
      %sign3A_152 = arith.constant 0 : i32
      %sign3A_153 = arith.cmpi sgt, %jit3A_143, %sign3A_152 : i32
      %sign3A_154 = arith.extui %sign3A_153 : i1 to i32
      %sign3A_155 = arith.constant 0 : i32
      %sign3A_156 = arith.cmpi slt, %jit3A_143, %sign3A_155 : i32
      %sign3A_157 = arith.extui %sign3A_156 : i1 to i32
      %sign3A_158 = arith.subi %sign3A_154, %sign3A_157 : i32
      %ne3A_159 = arith.cmpi ne, %sign3A_151, %sign3A_158 : i32
      %rem3A_160 = arith.remsi %add3A_121, %jit3A_143 : i32
      %ne3A_161 = arith.constant 0 : i32
      %ne3A_162 = arith.cmpi ne, %rem3A_160, %ne3A_161 : i32
      %and3A_163 = arith.andi %ne3A_159, %ne3A_162 : i1
      %sub3A_164 = arith.constant 1 : i32
      %sub3A_165 = arith.subi %div3A_144, %sub3A_164 : i32
      %select_n3A_166 = arith.select %and3A_163, %sub3A_165, %div3A_144 : i32
      %jit3A_167 = arith.constant 64 : i32
      %eq3A_168 = arith.constant 0 : i32
      %eq3A_169 = arith.cmpi eq, %jit3A_167, %eq3A_168 : i32
      %jit3A_170 = arith.constant 1 : i32
      %select_n3A_171 = arith.select %eq3A_169, %jit3A_170, %jit3A_167 : i32
      %rem3A_172 = arith.remsi %add3A_121, %select_n3A_171 : i32
      %ne3A_173 = arith.constant 0 : i32
      %ne3A_174 = arith.cmpi ne, %rem3A_172, %ne3A_173 : i32
      %lt3A_175 = arith.constant 0 : i32
      %lt3A_176 = arith.cmpi slt, %rem3A_172, %lt3A_175 : i32
      %lt3A_177 = arith.constant 0 : i32
      %lt3A_178 = arith.cmpi slt, %select_n3A_171, %lt3A_177 : i32
      %ne3A_179 = arith.xori %lt3A_176, %lt3A_178 : i1
      %and3A_180 = arith.andi %ne3A_179, %ne3A_174 : i1
      %add3A_181 = arith.addi %rem3A_172, %select_n3A_171 : i32
      %select_n3A_182 = arith.select %and3A_180, %add3A_181, %rem3A_172 : i32
      "tpu.region"() ({
        %run_scoped3A = tpu.sem_alloc : memref<!tpu.dma_semaphore, #tpu.memory_space<semaphore_mem>>
        %dma_start3A_262 = arith.constant 0 : i32
        %dma_start3A_263 = tpu.memref_slice %arg3[%select_n3A_166, %select_n3A_182, %dma_start3A_262] : memref<8x64x128xi32, #tpu.memory_space<hbm>> -> memref<1x1x128xi32, #tpu.memory_space<hbm>>
        %dma_start3A_264 = tpu.memref_squeeze %dma_start3A_263 : memref<1x1x128xi32, #tpu.memory_space<hbm>> -> memref<128xi32, #tpu.memory_space<hbm>>
        %dma_start3A_265 = arith.constant 0 : i32
        %dma_start3A_266 = tpu.memref_slice %arg3[%select_n3A_166, %select_n3A_182, %dma_start3A_265] : memref<8x64x128xi32, #tpu.memory_space<hbm>> -> memref<1x1x128xi32, #tpu.memory_space<hbm>>
        %dma_start3A_267 = tpu.memref_squeeze %dma_start3A_266 : memref<1x1x128xi32, #tpu.memory_space<hbm>> -> memref<128xi32, #tpu.memory_space<hbm>>
        tpu.enqueue_dma source(%arg7 : memref<128xi32, #tpu.memory_space<vmem>>) target(%dma_start3A_267 : memref<128xi32, #tpu.memory_space<hbm>>) target_semaphore(%run_scoped3A : memref<!tpu.dma_semaphore, #tpu.memory_space<semaphore_mem>>)
        %dma_wait3A_268 = arith.constant 0 : i32
        %dma_wait3A_269 = tpu.memref_slice %arg3[%select_n3A_166, %select_n3A_182, %dma_wait3A_268] : memref<8x64x128xi32, #tpu.memory_space<hbm>> -> memref<1x1x128xi32, #tpu.memory_space<hbm>>
        %dma_wait3A_270 = tpu.memref_squeeze %dma_wait3A_269 : memref<1x1x128xi32, #tpu.memory_space<hbm>> -> memref<128xi32, #tpu.memory_space<hbm>>
        %dma_wait3A_271 = arith.constant 0 : i32
        %dma_wait3A_272 = tpu.memref_slice %arg3[%select_n3A_166, %select_n3A_182, %dma_wait3A_271] : memref<8x64x128xi32, #tpu.memory_space<hbm>> -> memref<1x1x128xi32, #tpu.memory_space<hbm>>
        %dma_wait3A_273 = tpu.memref_squeeze %dma_wait3A_272 : memref<1x1x128xi32, #tpu.memory_space<hbm>> -> memref<128xi32, #tpu.memory_space<hbm>>
        tpu.wait_dma2 semaphore(%run_scoped3A : memref<!tpu.dma_semaphore, #tpu.memory_space<semaphore_mem>>) src(%arg7 : memref<128xi32, #tpu.memory_space<vmem>>) dst(%dma_wait3A_273 : memref<128xi32, #tpu.memory_space<hbm>>)
        tpu.yield
      }) : () -> ()
      %add3A_183 = arith.constant 2 : i32
      %add3A_184 = arith.addi %mul3A_61, %add3A_183 : i32
      %lt3A_185 = arith.constant 16 : i32
      %lt3A_186 = arith.cmpi slt, %add3A_184, %lt3A_185 : i32
      %convert_element_type3A = arith.extui %lt3A_186 : i1 to i32
      %cond3A = arith.constant 0 : i32
      %cond3A_187 = arith.cmpi ne, %convert_element_type3A, %cond3A : i32
      scf.if %cond3A_187 {
        %add3A_262 = arith.constant 2 : i32
        %add3A_263 = arith.addi %mul3A_61, %add3A_262 : i32
        %add3A_264 = arith.addi %mul3A_2, %add3A_263 : i32
        %jit3A_265 = arith.constant 64 : i32
        %div3A_266 = arith.divsi %add3A_264, %jit3A_265 : i32
        %sign3A_267 = arith.constant 0 : i32
        %sign3A_268 = arith.cmpi sgt, %add3A_264, %sign3A_267 : i32
        %sign3A_269 = arith.extui %sign3A_268 : i1 to i32
        %sign3A_270 = arith.constant 0 : i32
        %sign3A_271 = arith.cmpi slt, %add3A_264, %sign3A_270 : i32
        %sign3A_272 = arith.extui %sign3A_271 : i1 to i32
        %sign3A_273 = arith.subi %sign3A_269, %sign3A_272 : i32
        %sign3A_274 = arith.constant 0 : i32
        %sign3A_275 = arith.cmpi sgt, %jit3A_265, %sign3A_274 : i32
        %sign3A_276 = arith.extui %sign3A_275 : i1 to i32
        %sign3A_277 = arith.constant 0 : i32
        %sign3A_278 = arith.cmpi slt, %jit3A_265, %sign3A_277 : i32
        %sign3A_279 = arith.extui %sign3A_278 : i1 to i32
        %sign3A_280 = arith.subi %sign3A_276, %sign3A_279 : i32
        %ne3A_281 = arith.cmpi ne, %sign3A_273, %sign3A_280 : i32
        %rem3A_282 = arith.remsi %add3A_264, %jit3A_265 : i32
        %ne3A_283 = arith.constant 0 : i32
        %ne3A_284 = arith.cmpi ne, %rem3A_282, %ne3A_283 : i32
        %and3A_285 = arith.andi %ne3A_281, %ne3A_284 : i1
        %sub3A_286 = arith.constant 1 : i32
        %sub3A_287 = arith.subi %div3A_266, %sub3A_286 : i32
        %select_n3A_288 = arith.select %and3A_285, %sub3A_287, %div3A_266 : i32
        %jit3A_289 = arith.constant 64 : i32
        %eq3A_290 = arith.constant 0 : i32
        %eq3A_291 = arith.cmpi eq, %jit3A_289, %eq3A_290 : i32
        %jit3A_292 = arith.constant 1 : i32
        %select_n3A_293 = arith.select %eq3A_291, %jit3A_292, %jit3A_289 : i32
        %rem3A_294 = arith.remsi %add3A_264, %select_n3A_293 : i32
        %ne3A_295 = arith.constant 0 : i32
        %ne3A_296 = arith.cmpi ne, %rem3A_294, %ne3A_295 : i32
        %lt3A_297 = arith.constant 0 : i32
        %lt3A_298 = arith.cmpi slt, %rem3A_294, %lt3A_297 : i32
        %lt3A_299 = arith.constant 0 : i32
        %lt3A_300 = arith.cmpi slt, %select_n3A_293, %lt3A_299 : i32
        %ne3A_301 = arith.xori %lt3A_298, %lt3A_300 : i1
        %and3A_302 = arith.andi %ne3A_301, %ne3A_296 : i1
        %add3A_303 = arith.addi %rem3A_294, %select_n3A_293 : i32
        %select_n3A_304 = arith.select %and3A_302, %add3A_303, %rem3A_294 : i32
        %mul3A_305 = arith.constant 8 : i32
        %mul3A_306 = arith.muli %select_n3A_304, %mul3A_305 : i32
        %dma_start3A_307 = arith.constant 0 : i32
        %dma_start3A_308 = tpu.memref_slice %arg2[%select_n3A_288, %mul3A_306, %dma_start3A_307] : memref<8x512x1024xi32, #tpu.memory_space<hbm>> -> memref<1x8x1024xi32, #tpu.memory_space<hbm>>
        %dma_start3A_309 = tpu.memref_squeeze %dma_start3A_308 : memref<1x8x1024xi32, #tpu.memory_space<hbm>> -> memref<8x1024xi32, #tpu.memory_space<hbm>>
        %dma_start3A_310 = arith.constant 0 : i32
        %dma_start3A_311 = tpu.memref_slice %arg2[%select_n3A_288, %mul3A_306, %dma_start3A_310] : memref<8x512x1024xi32, #tpu.memory_space<hbm>> -> memref<1x8x1024xi32, #tpu.memory_space<hbm>>
        %dma_start3A_312 = tpu.memref_squeeze %dma_start3A_311 : memref<1x8x1024xi32, #tpu.memory_space<hbm>> -> memref<8x1024xi32, #tpu.memory_space<hbm>>
        tpu.enqueue_dma source(%dma_start3A_312 : memref<8x1024xi32, #tpu.memory_space<hbm>>) target(%arg4 : memref<8x1024xi32, #tpu.memory_space<vmem>>) target_semaphore(%arg8 : memref<!tpu.dma_semaphore, #tpu.memory_space<semaphore_mem>>)
      } else {
      }
      %dma_wait3A_188 = arith.constant 0 : i32
      %dma_wait3A_189 = arith.constant 0 : i32
      %dma_wait3A_190 = arith.constant 0 : i32
      %dma_wait3A_191 = tpu.memref_slice %arg2[%dma_wait3A_188, %dma_wait3A_189, %dma_wait3A_190] : memref<8x512x1024xi32, #tpu.memory_space<hbm>> -> memref<1x8x1024xi32, #tpu.memory_space<hbm>>
      %dma_wait3A_192 = tpu.memref_squeeze %dma_wait3A_191 : memref<1x8x1024xi32, #tpu.memory_space<hbm>> -> memref<8x1024xi32, #tpu.memory_space<hbm>>
      %dma_wait3A_193 = arith.constant 0 : i32
      %dma_wait3A_194 = arith.constant 0 : i32
      %dma_wait3A_195 = tpu.memref_slice %arg2[%dma_wait3A_188, %dma_wait3A_193, %dma_wait3A_194] : memref<8x512x1024xi32, #tpu.memory_space<hbm>> -> memref<1x8x1024xi32, #tpu.memory_space<hbm>>
      %dma_wait3A_196 = tpu.memref_squeeze %dma_wait3A_195 : memref<1x8x1024xi32, #tpu.memory_space<hbm>> -> memref<8x1024xi32, #tpu.memory_space<hbm>>
      tpu.wait_dma2 semaphore(%arg9 : memref<!tpu.dma_semaphore, #tpu.memory_space<semaphore_mem>>) src(%dma_wait3A_196 : memref<8x1024xi32, #tpu.memory_space<hbm>>) dst(%arg5 : memref<8x1024xi32, #tpu.memory_space<vmem>>)
      %add3A_197 = arith.constant 1 : i32
      %add3A_198 = arith.addi %mul3A_61, %add3A_197 : i32
      %add3A_199 = arith.addi %mul3A_2, %add3A_198 : i32
      %scan3A_200 = arith.constant 0 : i32
      %scan3A_201 = arith.constant 0 : i32
      %scan3A_202 = arith.constant 16 : i32
      %scan3A_203 = arith.addi %scan3A_201, %scan3A_202 : i32
      %scan3A_204 = arith.constant 1 : i32
      %scan3A_205 = scf.for %scan3A_262 = %scan3A_201 to %scan3A_203 step %scan3A_204 iter_args(%scan3A_263 = %scan3A_200) -> (i32)  : i32 {
        %mul3A_264 = arith.constant 256 : i32
        %mul3A_265 = arith.muli %scan3A_262, %mul3A_264 : i32
        %add3A_266 = arith.constant 0 : i32
        %add3A_267 = arith.addi %mul3A_265, %add3A_266 : i32
        %swap3A = arith.index_cast %add3A_267 : i32 to index
        %swap3A_268 = tpu.vector_load %arg6[%swap3A] {strides = array<i32>} : memref<4096xi32, #tpu.memory_space<vmem>>, vector<16xi32>,
        tpu.vector_store %arg6[%swap3A], %broadcast_in_dim3A_12 {strides = array<i32>} : memref<4096xi32, #tpu.memory_space<vmem>>, vector<16xi32>,
        %mul3A_269 = arith.constant 256 : i32
        %mul3A_270 = arith.muli %scan3A_262, %mul3A_269 : i32
        %add3A_271 = arith.constant 16 : i32
        %add3A_272 = arith.addi %mul3A_270, %add3A_271 : i32
        %swap3A_273 = arith.index_cast %add3A_272 : i32 to index
        %swap3A_274 = tpu.vector_load %arg6[%swap3A_273] {strides = array<i32>} : memref<4096xi32, #tpu.memory_space<vmem>>, vector<16xi32>,
        tpu.vector_store %arg6[%swap3A_273], %broadcast_in_dim3A_12 {strides = array<i32>} : memref<4096xi32, #tpu.memory_space<vmem>>, vector<16xi32>,
        %mul3A_275 = arith.constant 256 : i32
        %mul3A_276 = arith.muli %scan3A_262, %mul3A_275 : i32
        %add3A_277 = arith.constant 32 : i32
        %add3A_278 = arith.addi %mul3A_276, %add3A_277 : i32
        %swap3A_279 = arith.index_cast %add3A_278 : i32 to index
        %swap3A_280 = tpu.vector_load %arg6[%swap3A_279] {strides = array<i32>} : memref<4096xi32, #tpu.memory_space<vmem>>, vector<16xi32>,
        tpu.vector_store %arg6[%swap3A_279], %broadcast_in_dim3A_12 {strides = array<i32>} : memref<4096xi32, #tpu.memory_space<vmem>>, vector<16xi32>,
        %mul3A_281 = arith.constant 256 : i32
        %mul3A_282 = arith.muli %scan3A_262, %mul3A_281 : i32
        %add3A_283 = arith.constant 48 : i32
        %add3A_284 = arith.addi %mul3A_282, %add3A_283 : i32
        %swap3A_285 = arith.index_cast %add3A_284 : i32 to index
        %swap3A_286 = tpu.vector_load %arg6[%swap3A_285] {strides = array<i32>} : memref<4096xi32, #tpu.memory_space<vmem>>, vector<16xi32>,
        tpu.vector_store %arg6[%swap3A_285], %broadcast_in_dim3A_12 {strides = array<i32>} : memref<4096xi32, #tpu.memory_space<vmem>>, vector<16xi32>,
        %mul3A_287 = arith.constant 256 : i32
        %mul3A_288 = arith.muli %scan3A_262, %mul3A_287 : i32
        %add3A_289 = arith.constant 64 : i32
        %add3A_290 = arith.addi %mul3A_288, %add3A_289 : i32
        %swap3A_291 = arith.index_cast %add3A_290 : i32 to index
        %swap3A_292 = tpu.vector_load %arg6[%swap3A_291] {strides = array<i32>} : memref<4096xi32, #tpu.memory_space<vmem>>, vector<16xi32>,
        tpu.vector_store %arg6[%swap3A_291], %broadcast_in_dim3A_12 {strides = array<i32>} : memref<4096xi32, #tpu.memory_space<vmem>>, vector<16xi32>,
        %mul3A_293 = arith.constant 256 : i32
        %mul3A_294 = arith.muli %scan3A_262, %mul3A_293 : i32
        %add3A_295 = arith.constant 80 : i32
        %add3A_296 = arith.addi %mul3A_294, %add3A_295 : i32
        %swap3A_297 = arith.index_cast %add3A_296 : i32 to index
        %swap3A_298 = tpu.vector_load %arg6[%swap3A_297] {strides = array<i32>} : memref<4096xi32, #tpu.memory_space<vmem>>, vector<16xi32>,
        tpu.vector_store %arg6[%swap3A_297], %broadcast_in_dim3A_12 {strides = array<i32>} : memref<4096xi32, #tpu.memory_space<vmem>>, vector<16xi32>,
        %mul3A_299 = arith.constant 256 : i32
        %mul3A_300 = arith.muli %scan3A_262, %mul3A_299 : i32
        %add3A_301 = arith.constant 96 : i32
        %add3A_302 = arith.addi %mul3A_300, %add3A_301 : i32
        %swap3A_303 = arith.index_cast %add3A_302 : i32 to index
        %swap3A_304 = tpu.vector_load %arg6[%swap3A_303] {strides = array<i32>} : memref<4096xi32, #tpu.memory_space<vmem>>, vector<16xi32>,
        tpu.vector_store %arg6[%swap3A_303], %broadcast_in_dim3A_12 {strides = array<i32>} : memref<4096xi32, #tpu.memory_space<vmem>>, vector<16xi32>,
        %mul3A_305 = arith.constant 256 : i32
        %mul3A_306 = arith.muli %scan3A_262, %mul3A_305 : i32
        %add3A_307 = arith.constant 112 : i32
        %add3A_308 = arith.addi %mul3A_306, %add3A_307 : i32
        %swap3A_309 = arith.index_cast %add3A_308 : i32 to index
        %swap3A_310 = tpu.vector_load %arg6[%swap3A_309] {strides = array<i32>} : memref<4096xi32, #tpu.memory_space<vmem>>, vector<16xi32>,
        tpu.vector_store %arg6[%swap3A_309], %broadcast_in_dim3A_12 {strides = array<i32>} : memref<4096xi32, #tpu.memory_space<vmem>>, vector<16xi32>,
        %mul3A_311 = arith.constant 256 : i32
        %mul3A_312 = arith.muli %scan3A_262, %mul3A_311 : i32
        %add3A_313 = arith.constant 128 : i32
        %add3A_314 = arith.addi %mul3A_312, %add3A_313 : i32
        %swap3A_315 = arith.index_cast %add3A_314 : i32 to index
        %swap3A_316 = tpu.vector_load %arg6[%swap3A_315] {strides = array<i32>} : memref<4096xi32, #tpu.memory_space<vmem>>, vector<16xi32>,
        tpu.vector_store %arg6[%swap3A_315], %broadcast_in_dim3A_12 {strides = array<i32>} : memref<4096xi32, #tpu.memory_space<vmem>>, vector<16xi32>,
        %mul3A_317 = arith.constant 256 : i32
        %mul3A_318 = arith.muli %scan3A_262, %mul3A_317 : i32
        %add3A_319 = arith.constant 144 : i32
        %add3A_320 = arith.addi %mul3A_318, %add3A_319 : i32
        %swap3A_321 = arith.index_cast %add3A_320 : i32 to index
        %swap3A_322 = tpu.vector_load %arg6[%swap3A_321] {strides = array<i32>} : memref<4096xi32, #tpu.memory_space<vmem>>, vector<16xi32>,
        tpu.vector_store %arg6[%swap3A_321], %broadcast_in_dim3A_12 {strides = array<i32>} : memref<4096xi32, #tpu.memory_space<vmem>>, vector<16xi32>,
        %mul3A_323 = arith.constant 256 : i32
        %mul3A_324 = arith.muli %scan3A_262, %mul3A_323 : i32
        %add3A_325 = arith.constant 160 : i32
        %add3A_326 = arith.addi %mul3A_324, %add3A_325 : i32
        %swap3A_327 = arith.index_cast %add3A_326 : i32 to index
        %swap3A_328 = tpu.vector_load %arg6[%swap3A_327] {strides = array<i32>} : memref<4096xi32, #tpu.memory_space<vmem>>, vector<16xi32>,
        tpu.vector_store %arg6[%swap3A_327], %broadcast_in_dim3A_12 {strides = array<i32>} : memref<4096xi32, #tpu.memory_space<vmem>>, vector<16xi32>,
        %mul3A_329 = arith.constant 256 : i32
        %mul3A_330 = arith.muli %scan3A_262, %mul3A_329 : i32
        %add3A_331 = arith.constant 176 : i32
        %add3A_332 = arith.addi %mul3A_330, %add3A_331 : i32
        %swap3A_333 = arith.index_cast %add3A_332 : i32 to index
        %swap3A_334 = tpu.vector_load %arg6[%swap3A_333] {strides = array<i32>} : memref<4096xi32, #tpu.memory_space<vmem>>, vector<16xi32>,
        tpu.vector_store %arg6[%swap3A_333], %broadcast_in_dim3A_12 {strides = array<i32>} : memref<4096xi32, #tpu.memory_space<vmem>>, vector<16xi32>,
        %mul3A_335 = arith.constant 256 : i32
        %mul3A_336 = arith.muli %scan3A_262, %mul3A_335 : i32
        %add3A_337 = arith.constant 192 : i32
        %add3A_338 = arith.addi %mul3A_336, %add3A_337 : i32
        %swap3A_339 = arith.index_cast %add3A_338 : i32 to index
        %swap3A_340 = tpu.vector_load %arg6[%swap3A_339] {strides = array<i32>} : memref<4096xi32, #tpu.memory_space<vmem>>, vector<16xi32>,
        tpu.vector_store %arg6[%swap3A_339], %broadcast_in_dim3A_12 {strides = array<i32>} : memref<4096xi32, #tpu.memory_space<vmem>>, vector<16xi32>,
        %mul3A_341 = arith.constant 256 : i32
        %mul3A_342 = arith.muli %scan3A_262, %mul3A_341 : i32
        %add3A_343 = arith.constant 208 : i32
        %add3A_344 = arith.addi %mul3A_342, %add3A_343 : i32
        %swap3A_345 = arith.index_cast %add3A_344 : i32 to index
        %swap3A_346 = tpu.vector_load %arg6[%swap3A_345] {strides = array<i32>} : memref<4096xi32, #tpu.memory_space<vmem>>, vector<16xi32>,
        tpu.vector_store %arg6[%swap3A_345], %broadcast_in_dim3A_12 {strides = array<i32>} : memref<4096xi32, #tpu.memory_space<vmem>>, vector<16xi32>,
        %mul3A_347 = arith.constant 256 : i32
        %mul3A_348 = arith.muli %scan3A_262, %mul3A_347 : i32
        %add3A_349 = arith.constant 224 : i32
        %add3A_350 = arith.addi %mul3A_348, %add3A_349 : i32
        %swap3A_351 = arith.index_cast %add3A_350 : i32 to index
        %swap3A_352 = tpu.vector_load %arg6[%swap3A_351] {strides = array<i32>} : memref<4096xi32, #tpu.memory_space<vmem>>, vector<16xi32>,
        tpu.vector_store %arg6[%swap3A_351], %broadcast_in_dim3A_12 {strides = array<i32>} : memref<4096xi32, #tpu.memory_space<vmem>>, vector<16xi32>,
        %mul3A_353 = arith.constant 256 : i32
        %mul3A_354 = arith.muli %scan3A_262, %mul3A_353 : i32
        %add3A_355 = arith.constant 240 : i32
        %add3A_356 = arith.addi %mul3A_354, %add3A_355 : i32
        %swap3A_357 = arith.index_cast %add3A_356 : i32 to index
        %swap3A_358 = tpu.vector_load %arg6[%swap3A_357] {strides = array<i32>} : memref<4096xi32, #tpu.memory_space<vmem>>, vector<16xi32>,
        tpu.vector_store %arg6[%swap3A_357], %broadcast_in_dim3A_12 {strides = array<i32>} : memref<4096xi32, #tpu.memory_space<vmem>>, vector<16xi32>,
        %scan3A_359 = arith.constant 0 : i32
        scf.yield %scan3A_359 : i32
      }
      %scan3A_206 = arith.constant 16 : i32
      %scan3A_207 = arith.constant 0 : i32
      %scan3A_208 = arith.constant 0 : i32
      %scan3A_209 = arith.constant 32 : i32
      %scan3A_210 = arith.addi %scan3A_208, %scan3A_209 : i32
      %scan3A_211 = arith.constant 1 : i32
      %scan3A_212 = scf.for %scan3A_262 = %scan3A_208 to %scan3A_210 step %scan3A_211 iter_args(%scan3A_263 = %scan3A_207) -> (i32)  : i32 {
        %mul3A_264 = arith.constant 2 : i32
        %mul3A_265 = arith.muli %scan3A_262, %mul3A_264 : i32
        %add3A_266 = arith.constant 0 : i32
        %add3A_267 = arith.addi %mul3A_265, %add3A_266 : i32
        %mul3A_268 = arith.constant 64 : i32
        %mul3A_269 = arith.muli %add3A_267, %mul3A_268 : i32
        %add3A_270 = vector.broadcast %mul3A_269 : i32 to vector<16xi32>
        %add3A_271 = arith.addi %shift_left3A_6, %add3A_270 : vector<16xi32>
        %mul3A_272 = arith.constant 16 : i32
        %mul3A_273 = arith.muli %add3A_267, %mul3A_272 : i32
        %get3A = arith.constant 0 : i32
        %get3A_274 = arith.index_cast %get3A : i32 to index
        %get3A_275 = arith.index_cast %mul3A_273 : i32 to index
        %get3A_276 = tpu.vector_load %arg5[%get3A_274, %get3A_275] {strides = array<i32>} : memref<8x1024xi32, #tpu.memory_space<vmem>>, vector<16xi32>,
        %add3A_277 = arith.addi %add3A_271, %get3A_276 : vector<16xi32>
        %mul3A_278 = arith.constant 16 : i32
        %mul3A_279 = arith.muli %add3A_267, %mul3A_278 : i32
        %get3A_280 = arith.constant 1 : i32
        %get3A_281 = arith.index_cast %get3A_280 : i32 to index
        %get3A_282 = arith.index_cast %mul3A_279 : i32 to index
        %get3A_283 = tpu.vector_load %arg5[%get3A_281, %get3A_282] {strides = array<i32>} : memref<8x1024xi32, #tpu.memory_space<vmem>>, vector<16xi32>,
        %add3A_284 = arith.addi %add3A_271, %get3A_283 : vector<16xi32>
        %mul3A_285 = arith.constant 16 : i32
        %mul3A_286 = arith.muli %add3A_267, %mul3A_285 : i32
        %get3A_287 = arith.constant 2 : i32
        %get3A_288 = arith.index_cast %get3A_287 : i32 to index
        %get3A_289 = arith.index_cast %mul3A_286 : i32 to index
        %get3A_290 = tpu.vector_load %arg5[%get3A_288, %get3A_289] {strides = array<i32>} : memref<8x1024xi32, #tpu.memory_space<vmem>>, vector<16xi32>,
        %add3A_291 = arith.addi %add3A_271, %get3A_290 : vector<16xi32>
        %mul3A_292 = arith.constant 16 : i32
        %mul3A_293 = arith.muli %add3A_267, %mul3A_292 : i32
        %get3A_294 = arith.constant 3 : i32
        %get3A_295 = arith.index_cast %get3A_294 : i32 to index
        %get3A_296 = arith.index_cast %mul3A_293 : i32 to index
        %get3A_297 = tpu.vector_load %arg5[%get3A_295, %get3A_296] {strides = array<i32>} : memref<8x1024xi32, #tpu.memory_space<vmem>>, vector<16xi32>,
        %add3A_298 = arith.addi %add3A_271, %get3A_297 : vector<16xi32>
        %mul3A_299 = arith.constant 16 : i32
        %mul3A_300 = arith.muli %add3A_267, %mul3A_299 : i32
        %get3A_301 = arith.constant 4 : i32
        %get3A_302 = arith.index_cast %get3A_301 : i32 to index
        %get3A_303 = arith.index_cast %mul3A_300 : i32 to index
        %get3A_304 = tpu.vector_load %arg5[%get3A_302, %get3A_303] {strides = array<i32>} : memref<8x1024xi32, #tpu.memory_space<vmem>>, vector<16xi32>,
        %add3A_305 = arith.addi %add3A_271, %get3A_304 : vector<16xi32>
        %mul3A_306 = arith.constant 16 : i32
        %mul3A_307 = arith.muli %add3A_267, %mul3A_306 : i32
        %get3A_308 = arith.constant 5 : i32
        %get3A_309 = arith.index_cast %get3A_308 : i32 to index
        %get3A_310 = arith.index_cast %mul3A_307 : i32 to index
        %get3A_311 = tpu.vector_load %arg5[%get3A_309, %get3A_310] {strides = array<i32>} : memref<8x1024xi32, #tpu.memory_space<vmem>>, vector<16xi32>,
        %add3A_312 = arith.addi %add3A_271, %get3A_311 : vector<16xi32>
        %mul3A_313 = arith.constant 16 : i32
        %mul3A_314 = arith.muli %add3A_267, %mul3A_313 : i32
        %get3A_315 = arith.constant 6 : i32
        %get3A_316 = arith.index_cast %get3A_315 : i32 to index
        %get3A_317 = arith.index_cast %mul3A_314 : i32 to index
        %get3A_318 = tpu.vector_load %arg5[%get3A_316, %get3A_317] {strides = array<i32>} : memref<8x1024xi32, #tpu.memory_space<vmem>>, vector<16xi32>,
        %add3A_319 = arith.addi %add3A_271, %get3A_318 : vector<16xi32>
        %mul3A_320 = arith.constant 16 : i32
        %mul3A_321 = arith.muli %add3A_267, %mul3A_320 : i32
        %get3A_322 = arith.constant 7 : i32
        %get3A_323 = arith.index_cast %get3A_322 : i32 to index
        %get3A_324 = arith.index_cast %mul3A_321 : i32 to index
        %get3A_325 = tpu.vector_load %arg5[%get3A_323, %get3A_324] {strides = array<i32>} : memref<8x1024xi32, #tpu.memory_space<vmem>>, vector<16xi32>,
        %add3A_326 = arith.addi %add3A_271, %get3A_325 : vector<16xi32>
        %mul3A_327 = arith.constant 2 : i32
        %mul3A_328 = arith.muli %scan3A_262, %mul3A_327 : i32
        %add3A_329 = arith.constant 1 : i32
        %add3A_330 = arith.addi %mul3A_328, %add3A_329 : i32
        %mul3A_331 = arith.constant 64 : i32
        %mul3A_332 = arith.muli %add3A_330, %mul3A_331 : i32
        %add3A_333 = vector.broadcast %mul3A_332 : i32 to vector<16xi32>
        %add3A_334 = arith.addi %shift_left3A_6, %add3A_333 : vector<16xi32>
        %mul3A_335 = arith.constant 16 : i32
        %mul3A_336 = arith.muli %add3A_330, %mul3A_335 : i32
        %get3A_337 = arith.constant 0 : i32
        %get3A_338 = arith.index_cast %get3A_337 : i32 to index
        %get3A_339 = arith.index_cast %mul3A_336 : i32 to index
        %get3A_340 = tpu.vector_load %arg5[%get3A_338, %get3A_339] {strides = array<i32>} : memref<8x1024xi32, #tpu.memory_space<vmem>>, vector<16xi32>,
        %add3A_341 = arith.addi %add3A_334, %get3A_340 : vector<16xi32>
        %mul3A_342 = arith.constant 16 : i32
        %mul3A_343 = arith.muli %add3A_330, %mul3A_342 : i32
        %get3A_344 = arith.constant 1 : i32
        %get3A_345 = arith.index_cast %get3A_344 : i32 to index
        %get3A_346 = arith.index_cast %mul3A_343 : i32 to index
        %get3A_347 = tpu.vector_load %arg5[%get3A_345, %get3A_346] {strides = array<i32>} : memref<8x1024xi32, #tpu.memory_space<vmem>>, vector<16xi32>,
        %add3A_348 = arith.addi %add3A_334, %get3A_347 : vector<16xi32>
        %mul3A_349 = arith.constant 16 : i32
        %mul3A_350 = arith.muli %add3A_330, %mul3A_349 : i32
        %get3A_351 = arith.constant 2 : i32
        %get3A_352 = arith.index_cast %get3A_351 : i32 to index
        %get3A_353 = arith.index_cast %mul3A_350 : i32 to index
        %get3A_354 = tpu.vector_load %arg5[%get3A_352, %get3A_353] {strides = array<i32>} : memref<8x1024xi32, #tpu.memory_space<vmem>>, vector<16xi32>,
        %add3A_355 = arith.addi %add3A_334, %get3A_354 : vector<16xi32>
        %mul3A_356 = arith.constant 16 : i32
        %mul3A_357 = arith.muli %add3A_330, %mul3A_356 : i32
        %get3A_358 = arith.constant 3 : i32
        %get3A_359 = arith.index_cast %get3A_358 : i32 to index
        %get3A_360 = arith.index_cast %mul3A_357 : i32 to index
        %get3A_361 = tpu.vector_load %arg5[%get3A_359, %get3A_360] {strides = array<i32>} : memref<8x1024xi32, #tpu.memory_space<vmem>>, vector<16xi32>,
        %add3A_362 = arith.addi %add3A_334, %get3A_361 : vector<16xi32>
        %mul3A_363 = arith.constant 16 : i32
        %mul3A_364 = arith.muli %add3A_330, %mul3A_363 : i32
        %get3A_365 = arith.constant 4 : i32
        %get3A_366 = arith.index_cast %get3A_365 : i32 to index
        %get3A_367 = arith.index_cast %mul3A_364 : i32 to index
        %get3A_368 = tpu.vector_load %arg5[%get3A_366, %get3A_367] {strides = array<i32>} : memref<8x1024xi32, #tpu.memory_space<vmem>>, vector<16xi32>,
        %add3A_369 = arith.addi %add3A_334, %get3A_368 : vector<16xi32>
        %mul3A_370 = arith.constant 16 : i32
        %mul3A_371 = arith.muli %add3A_330, %mul3A_370 : i32
        %get3A_372 = arith.constant 5 : i32
        %get3A_373 = arith.index_cast %get3A_372 : i32 to index
        %get3A_374 = arith.index_cast %mul3A_371 : i32 to index
        %get3A_375 = tpu.vector_load %arg5[%get3A_373, %get3A_374] {strides = array<i32>} : memref<8x1024xi32, #tpu.memory_space<vmem>>, vector<16xi32>,
        %add3A_376 = arith.addi %add3A_334, %get3A_375 : vector<16xi32>
        %mul3A_377 = arith.constant 16 : i32
        %mul3A_378 = arith.muli %add3A_330, %mul3A_377 : i32
        %get3A_379 = arith.constant 6 : i32
        %get3A_380 = arith.index_cast %get3A_379 : i32 to index
        %get3A_381 = arith.index_cast %mul3A_378 : i32 to index
        %get3A_382 = tpu.vector_load %arg5[%get3A_380, %get3A_381] {strides = array<i32>} : memref<8x1024xi32, #tpu.memory_space<vmem>>, vector<16xi32>,
        %add3A_383 = arith.addi %add3A_334, %get3A_382 : vector<16xi32>
        %mul3A_384 = arith.constant 16 : i32
        %mul3A_385 = arith.muli %add3A_330, %mul3A_384 : i32
        %get3A_386 = arith.constant 7 : i32
        %get3A_387 = arith.index_cast %get3A_386 : i32 to index
        %get3A_388 = arith.index_cast %mul3A_385 : i32 to index
        %get3A_389 = tpu.vector_load %arg5[%get3A_387, %get3A_388] {strides = array<i32>} : memref<8x1024xi32, #tpu.memory_space<vmem>>, vector<16xi32>,
        %add3A_390 = arith.addi %add3A_334, %get3A_389 : vector<16xi32>
        tpu.vector_store_idx %arg6[%add3A_277], %broadcast_in_dim3A_10 {add = true} : memref<4096xi32, #tpu.memory_space<vmem>>[vector<16xi32>], vector<16xi32>,
        tpu.vector_store_idx %arg6[%add3A_284], %broadcast_in_dim3A_10 {add = true} : memref<4096xi32, #tpu.memory_space<vmem>>[vector<16xi32>], vector<16xi32>,
        tpu.vector_store_idx %arg6[%add3A_291], %broadcast_in_dim3A_10 {add = true} : memref<4096xi32, #tpu.memory_space<vmem>>[vector<16xi32>], vector<16xi32>,
        tpu.vector_store_idx %arg6[%add3A_298], %broadcast_in_dim3A_10 {add = true} : memref<4096xi32, #tpu.memory_space<vmem>>[vector<16xi32>], vector<16xi32>,
        tpu.vector_store_idx %arg6[%add3A_305], %broadcast_in_dim3A_10 {add = true} : memref<4096xi32, #tpu.memory_space<vmem>>[vector<16xi32>], vector<16xi32>,
        tpu.vector_store_idx %arg6[%add3A_312], %broadcast_in_dim3A_10 {add = true} : memref<4096xi32, #tpu.memory_space<vmem>>[vector<16xi32>], vector<16xi32>,
        tpu.vector_store_idx %arg6[%add3A_319], %broadcast_in_dim3A_10 {add = true} : memref<4096xi32, #tpu.memory_space<vmem>>[vector<16xi32>], vector<16xi32>,
        tpu.vector_store_idx %arg6[%add3A_326], %broadcast_in_dim3A_10 {add = true} : memref<4096xi32, #tpu.memory_space<vmem>>[vector<16xi32>], vector<16xi32>,
        tpu.vector_store_idx %arg6[%add3A_341], %broadcast_in_dim3A_10 {add = true} : memref<4096xi32, #tpu.memory_space<vmem>>[vector<16xi32>], vector<16xi32>,
        tpu.vector_store_idx %arg6[%add3A_348], %broadcast_in_dim3A_10 {add = true} : memref<4096xi32, #tpu.memory_space<vmem>>[vector<16xi32>], vector<16xi32>,
        tpu.vector_store_idx %arg6[%add3A_355], %broadcast_in_dim3A_10 {add = true} : memref<4096xi32, #tpu.memory_space<vmem>>[vector<16xi32>], vector<16xi32>,
        tpu.vector_store_idx %arg6[%add3A_362], %broadcast_in_dim3A_10 {add = true} : memref<4096xi32, #tpu.memory_space<vmem>>[vector<16xi32>], vector<16xi32>,
        tpu.vector_store_idx %arg6[%add3A_369], %broadcast_in_dim3A_10 {add = true} : memref<4096xi32, #tpu.memory_space<vmem>>[vector<16xi32>], vector<16xi32>,
        tpu.vector_store_idx %arg6[%add3A_376], %broadcast_in_dim3A_10 {add = true} : memref<4096xi32, #tpu.memory_space<vmem>>[vector<16xi32>], vector<16xi32>,
        tpu.vector_store_idx %arg6[%add3A_383], %broadcast_in_dim3A_10 {add = true} : memref<4096xi32, #tpu.memory_space<vmem>>[vector<16xi32>], vector<16xi32>,
        tpu.vector_store_idx %arg6[%add3A_390], %broadcast_in_dim3A_10 {add = true} : memref<4096xi32, #tpu.memory_space<vmem>>[vector<16xi32>], vector<16xi32>,
        %scan3A_391 = arith.constant 0 : i32
        scf.yield %scan3A_391 : i32
      }
      %scan3A_213 = arith.constant 32 : i32
      %scan3A_214 = arith.constant 0 : i32
      %scan3A_215 = arith.constant 0 : i32
      %scan3A_216 = arith.constant 8 : i32
      %scan3A_217 = arith.addi %scan3A_215, %scan3A_216 : i32
      %scan3A_218 = arith.constant 1 : i32
      %scan3A_219 = scf.for %scan3A_262 = %scan3A_215 to %scan3A_217 step %scan3A_218 iter_args(%scan3A_263 = %scan3A_214) -> (i32)  : i32 {
        %mul3A_264 = arith.constant 16 : i32
        %mul3A_265 = arith.muli %scan3A_262, %mul3A_264 : i32
        %mul3A_266 = arith.constant 512 : i32
        %mul3A_267 = arith.muli %scan3A_262, %mul3A_266 : i32
        %add3A_268 = vector.broadcast %mul3A_267 : i32 to vector<16xi32>
        %add3A_269 = arith.addi %shift_left3A_9, %add3A_268 : vector<16xi32>
        %add3A_270 = arith.constant 0 : i32
        %add3A_271 = vector.broadcast %add3A_270 : i32 to vector<16xi32>
        %add3A_272 = arith.addi %add3A_269, %add3A_271 : vector<16xi32>
        %gather3A = tpu.vector_load_idx %arg6[%add3A_272] : memref<4096xi32, #tpu.memory_space<vmem>>[vector<16xi32>], vector<16xi32>,
        %mul3A_273 = arith.constant 32 : i32
        %mul3A_274 = vector.broadcast %mul3A_273 : i32 to vector<16xi32>
        %mul3A_275 = arith.muli %gather3A, %mul3A_274 : vector<16xi32>
        %add3A_276 = arith.constant 31 : i32
        %add3A_277 = vector.broadcast %add3A_276 : i32 to vector<16xi32>
        %add3A_278 = arith.addi %mul3A_275, %add3A_277 : vector<16xi32>
        %add3A_279 = arith.constant 1 : i32
        %add3A_280 = vector.broadcast %add3A_279 : i32 to vector<16xi32>
        %add3A_281 = arith.addi %add3A_269, %add3A_280 : vector<16xi32>
        %gather3A_282 = tpu.vector_load_idx %arg6[%add3A_281] : memref<4096xi32, #tpu.memory_space<vmem>>[vector<16xi32>], vector<16xi32>,
        %mul3A_283 = arith.constant 32 : i32
        %mul3A_284 = vector.broadcast %mul3A_283 : i32 to vector<16xi32>
        %mul3A_285 = arith.muli %gather3A_282, %mul3A_284 : vector<16xi32>
        %add3A_286 = arith.constant 30 : i32
        %add3A_287 = vector.broadcast %add3A_286 : i32 to vector<16xi32>
        %add3A_288 = arith.addi %mul3A_285, %add3A_287 : vector<16xi32>
        %add3A_289 = arith.constant 2 : i32
        %add3A_290 = vector.broadcast %add3A_289 : i32 to vector<16xi32>
        %add3A_291 = arith.addi %add3A_269, %add3A_290 : vector<16xi32>
        %gather3A_292 = tpu.vector_load_idx %arg6[%add3A_291] : memref<4096xi32, #tpu.memory_space<vmem>>[vector<16xi32>], vector<16xi32>,
        %mul3A_293 = arith.constant 32 : i32
        %mul3A_294 = vector.broadcast %mul3A_293 : i32 to vector<16xi32>
        %mul3A_295 = arith.muli %gather3A_292, %mul3A_294 : vector<16xi32>
        %add3A_296 = arith.constant 29 : i32
        %add3A_297 = vector.broadcast %add3A_296 : i32 to vector<16xi32>
        %add3A_298 = arith.addi %mul3A_295, %add3A_297 : vector<16xi32>
        %add3A_299 = arith.constant 3 : i32
        %add3A_300 = vector.broadcast %add3A_299 : i32 to vector<16xi32>
        %add3A_301 = arith.addi %add3A_269, %add3A_300 : vector<16xi32>
        %gather3A_302 = tpu.vector_load_idx %arg6[%add3A_301] : memref<4096xi32, #tpu.memory_space<vmem>>[vector<16xi32>], vector<16xi32>,
        %mul3A_303 = arith.constant 32 : i32
        %mul3A_304 = vector.broadcast %mul3A_303 : i32 to vector<16xi32>
        %mul3A_305 = arith.muli %gather3A_302, %mul3A_304 : vector<16xi32>
        %add3A_306 = arith.constant 28 : i32
        %add3A_307 = vector.broadcast %add3A_306 : i32 to vector<16xi32>
        %add3A_308 = arith.addi %mul3A_305, %add3A_307 : vector<16xi32>
        %add3A_309 = arith.constant 4 : i32
        %add3A_310 = vector.broadcast %add3A_309 : i32 to vector<16xi32>
        %add3A_311 = arith.addi %add3A_269, %add3A_310 : vector<16xi32>
        %gather3A_312 = tpu.vector_load_idx %arg6[%add3A_311] : memref<4096xi32, #tpu.memory_space<vmem>>[vector<16xi32>], vector<16xi32>,
        %mul3A_313 = arith.constant 32 : i32
        %mul3A_314 = vector.broadcast %mul3A_313 : i32 to vector<16xi32>
        %mul3A_315 = arith.muli %gather3A_312, %mul3A_314 : vector<16xi32>
        %add3A_316 = arith.constant 27 : i32
        %add3A_317 = vector.broadcast %add3A_316 : i32 to vector<16xi32>
        %add3A_318 = arith.addi %mul3A_315, %add3A_317 : vector<16xi32>
        %add3A_319 = arith.constant 5 : i32
        %add3A_320 = vector.broadcast %add3A_319 : i32 to vector<16xi32>
        %add3A_321 = arith.addi %add3A_269, %add3A_320 : vector<16xi32>
        %gather3A_322 = tpu.vector_load_idx %arg6[%add3A_321] : memref<4096xi32, #tpu.memory_space<vmem>>[vector<16xi32>], vector<16xi32>,
        %mul3A_323 = arith.constant 320 : i32
        %mul3A_324 = vector.broadcast %mul3A_323 : i32 to vector<16xi32>
        %mul3A_325 = arith.muli %gather3A_322, %mul3A_324 : vector<16xi32>
        %add3A_326 = arith.constant 26 : i32
        %add3A_327 = vector.broadcast %add3A_326 : i32 to vector<16xi32>
        %add3A_328 = arith.addi %mul3A_325, %add3A_327 : vector<16xi32>
        %add3A_329 = arith.constant 6 : i32
        %add3A_330 = vector.broadcast %add3A_329 : i32 to vector<16xi32>
        %add3A_331 = arith.addi %add3A_269, %add3A_330 : vector<16xi32>
        %gather3A_332 = tpu.vector_load_idx %arg6[%add3A_331] : memref<4096xi32, #tpu.memory_space<vmem>>[vector<16xi32>], vector<16xi32>,
        %mul3A_333 = arith.constant 320 : i32
        %mul3A_334 = vector.broadcast %mul3A_333 : i32 to vector<16xi32>
        %mul3A_335 = arith.muli %gather3A_332, %mul3A_334 : vector<16xi32>
        %add3A_336 = arith.constant 25 : i32
        %add3A_337 = vector.broadcast %add3A_336 : i32 to vector<16xi32>
        %add3A_338 = arith.addi %mul3A_335, %add3A_337 : vector<16xi32>
        %add3A_339 = arith.constant 7 : i32
        %add3A_340 = vector.broadcast %add3A_339 : i32 to vector<16xi32>
        %add3A_341 = arith.addi %add3A_269, %add3A_340 : vector<16xi32>
        %gather3A_342 = tpu.vector_load_idx %arg6[%add3A_341] : memref<4096xi32, #tpu.memory_space<vmem>>[vector<16xi32>], vector<16xi32>,
        %mul3A_343 = arith.constant 320 : i32
        %mul3A_344 = vector.broadcast %mul3A_343 : i32 to vector<16xi32>
        %mul3A_345 = arith.muli %gather3A_342, %mul3A_344 : vector<16xi32>
        %add3A_346 = arith.constant 24 : i32
        %add3A_347 = vector.broadcast %add3A_346 : i32 to vector<16xi32>
        %add3A_348 = arith.addi %mul3A_345, %add3A_347 : vector<16xi32>
        %add3A_349 = arith.constant 8 : i32
        %add3A_350 = vector.broadcast %add3A_349 : i32 to vector<16xi32>
        %add3A_351 = arith.addi %add3A_269, %add3A_350 : vector<16xi32>
        %gather3A_352 = tpu.vector_load_idx %arg6[%add3A_351] : memref<4096xi32, #tpu.memory_space<vmem>>[vector<16xi32>], vector<16xi32>,
        %mul3A_353 = arith.constant 32 : i32
        %mul3A_354 = vector.broadcast %mul3A_353 : i32 to vector<16xi32>
        %mul3A_355 = arith.muli %gather3A_352, %mul3A_354 : vector<16xi32>
        %add3A_356 = arith.constant 23 : i32
        %add3A_357 = vector.broadcast %add3A_356 : i32 to vector<16xi32>
        %add3A_358 = arith.addi %mul3A_355, %add3A_357 : vector<16xi32>
        %add3A_359 = arith.constant 9 : i32
        %add3A_360 = vector.broadcast %add3A_359 : i32 to vector<16xi32>
        %add3A_361 = arith.addi %add3A_269, %add3A_360 : vector<16xi32>
        %gather3A_362 = tpu.vector_load_idx %arg6[%add3A_361] : memref<4096xi32, #tpu.memory_space<vmem>>[vector<16xi32>], vector<16xi32>,
        %mul3A_363 = arith.constant 32 : i32
        %mul3A_364 = vector.broadcast %mul3A_363 : i32 to vector<16xi32>
        %mul3A_365 = arith.muli %gather3A_362, %mul3A_364 : vector<16xi32>
        %add3A_366 = arith.constant 22 : i32
        %add3A_367 = vector.broadcast %add3A_366 : i32 to vector<16xi32>
        %add3A_368 = arith.addi %mul3A_365, %add3A_367 : vector<16xi32>
        %add3A_369 = arith.constant 10 : i32
        %add3A_370 = vector.broadcast %add3A_369 : i32 to vector<16xi32>
        %add3A_371 = arith.addi %add3A_269, %add3A_370 : vector<16xi32>
        %gather3A_372 = tpu.vector_load_idx %arg6[%add3A_371] : memref<4096xi32, #tpu.memory_space<vmem>>[vector<16xi32>], vector<16xi32>,
        %mul3A_373 = arith.constant 32 : i32
        %mul3A_374 = vector.broadcast %mul3A_373 : i32 to vector<16xi32>
        %mul3A_375 = arith.muli %gather3A_372, %mul3A_374 : vector<16xi32>
        %add3A_376 = arith.constant 21 : i32
        %add3A_377 = vector.broadcast %add3A_376 : i32 to vector<16xi32>
        %add3A_378 = arith.addi %mul3A_375, %add3A_377 : vector<16xi32>
        %add3A_379 = arith.constant 11 : i32
        %add3A_380 = vector.broadcast %add3A_379 : i32 to vector<16xi32>
        %add3A_381 = arith.addi %add3A_269, %add3A_380 : vector<16xi32>
        %gather3A_382 = tpu.vector_load_idx %arg6[%add3A_381] : memref<4096xi32, #tpu.memory_space<vmem>>[vector<16xi32>], vector<16xi32>,
        %mul3A_383 = arith.constant 320 : i32
        %mul3A_384 = vector.broadcast %mul3A_383 : i32 to vector<16xi32>
        %mul3A_385 = arith.muli %gather3A_382, %mul3A_384 : vector<16xi32>
        %add3A_386 = arith.constant 20 : i32
        %add3A_387 = vector.broadcast %add3A_386 : i32 to vector<16xi32>
        %add3A_388 = arith.addi %mul3A_385, %add3A_387 : vector<16xi32>
        %add3A_389 = arith.constant 12 : i32
        %add3A_390 = vector.broadcast %add3A_389 : i32 to vector<16xi32>
        %add3A_391 = arith.addi %add3A_269, %add3A_390 : vector<16xi32>
        %gather3A_392 = tpu.vector_load_idx %arg6[%add3A_391] : memref<4096xi32, #tpu.memory_space<vmem>>[vector<16xi32>], vector<16xi32>,
        %mul3A_393 = arith.constant 320 : i32
        %mul3A_394 = vector.broadcast %mul3A_393 : i32 to vector<16xi32>
        %mul3A_395 = arith.muli %gather3A_392, %mul3A_394 : vector<16xi32>
        %add3A_396 = arith.constant 19 : i32
        %add3A_397 = vector.broadcast %add3A_396 : i32 to vector<16xi32>
        %add3A_398 = arith.addi %mul3A_395, %add3A_397 : vector<16xi32>
        %add3A_399 = arith.constant 13 : i32
        %add3A_400 = vector.broadcast %add3A_399 : i32 to vector<16xi32>
        %add3A_401 = arith.addi %add3A_269, %add3A_400 : vector<16xi32>
        %gather3A_402 = tpu.vector_load_idx %arg6[%add3A_401] : memref<4096xi32, #tpu.memory_space<vmem>>[vector<16xi32>], vector<16xi32>,
        %mul3A_403 = arith.constant 320 : i32
        %mul3A_404 = vector.broadcast %mul3A_403 : i32 to vector<16xi32>
        %mul3A_405 = arith.muli %gather3A_402, %mul3A_404 : vector<16xi32>
        %add3A_406 = arith.constant 18 : i32
        %add3A_407 = vector.broadcast %add3A_406 : i32 to vector<16xi32>
        %add3A_408 = arith.addi %mul3A_405, %add3A_407 : vector<16xi32>
        %add3A_409 = arith.constant 14 : i32
        %add3A_410 = vector.broadcast %add3A_409 : i32 to vector<16xi32>
        %add3A_411 = arith.addi %add3A_269, %add3A_410 : vector<16xi32>
        %gather3A_412 = tpu.vector_load_idx %arg6[%add3A_411] : memref<4096xi32, #tpu.memory_space<vmem>>[vector<16xi32>], vector<16xi32>,
        %mul3A_413 = arith.constant 320 : i32
        %mul3A_414 = vector.broadcast %mul3A_413 : i32 to vector<16xi32>
        %mul3A_415 = arith.muli %gather3A_412, %mul3A_414 : vector<16xi32>
        %add3A_416 = arith.constant 17 : i32
        %add3A_417 = vector.broadcast %add3A_416 : i32 to vector<16xi32>
        %add3A_418 = arith.addi %mul3A_415, %add3A_417 : vector<16xi32>
        %add3A_419 = arith.constant 15 : i32
        %add3A_420 = vector.broadcast %add3A_419 : i32 to vector<16xi32>
        %add3A_421 = arith.addi %add3A_269, %add3A_420 : vector<16xi32>
        %gather3A_422 = tpu.vector_load_idx %arg6[%add3A_421] : memref<4096xi32, #tpu.memory_space<vmem>>[vector<16xi32>], vector<16xi32>,
        %mul3A_423 = arith.constant 320 : i32
        %mul3A_424 = vector.broadcast %mul3A_423 : i32 to vector<16xi32>
        %mul3A_425 = arith.muli %gather3A_422, %mul3A_424 : vector<16xi32>
        %add3A_426 = arith.constant 16 : i32
        %add3A_427 = vector.broadcast %add3A_426 : i32 to vector<16xi32>
        %add3A_428 = arith.addi %mul3A_425, %add3A_427 : vector<16xi32>
        %add3A_429 = arith.constant 16 : i32
        %add3A_430 = vector.broadcast %add3A_429 : i32 to vector<16xi32>
        %add3A_431 = arith.addi %add3A_269, %add3A_430 : vector<16xi32>
        %gather3A_432 = tpu.vector_load_idx %arg6[%add3A_431] : memref<4096xi32, #tpu.memory_space<vmem>>[vector<16xi32>], vector<16xi32>,
        %mul3A_433 = arith.constant 320 : i32
        %mul3A_434 = vector.broadcast %mul3A_433 : i32 to vector<16xi32>
        %mul3A_435 = arith.muli %gather3A_432, %mul3A_434 : vector<16xi32>
        %add3A_436 = arith.constant 15 : i32
        %add3A_437 = vector.broadcast %add3A_436 : i32 to vector<16xi32>
        %add3A_438 = arith.addi %mul3A_435, %add3A_437 : vector<16xi32>
        %add3A_439 = arith.constant 17 : i32
        %add3A_440 = vector.broadcast %add3A_439 : i32 to vector<16xi32>
        %add3A_441 = arith.addi %add3A_269, %add3A_440 : vector<16xi32>
        %gather3A_442 = tpu.vector_load_idx %arg6[%add3A_441] : memref<4096xi32, #tpu.memory_space<vmem>>[vector<16xi32>], vector<16xi32>,
        %mul3A_443 = arith.constant 320 : i32
        %mul3A_444 = vector.broadcast %mul3A_443 : i32 to vector<16xi32>
        %mul3A_445 = arith.muli %gather3A_442, %mul3A_444 : vector<16xi32>
        %add3A_446 = arith.constant 14 : i32
        %add3A_447 = vector.broadcast %add3A_446 : i32 to vector<16xi32>
        %add3A_448 = arith.addi %mul3A_445, %add3A_447 : vector<16xi32>
        %add3A_449 = arith.constant 18 : i32
        %add3A_450 = vector.broadcast %add3A_449 : i32 to vector<16xi32>
        %add3A_451 = arith.addi %add3A_269, %add3A_450 : vector<16xi32>
        %gather3A_452 = tpu.vector_load_idx %arg6[%add3A_451] : memref<4096xi32, #tpu.memory_space<vmem>>[vector<16xi32>], vector<16xi32>,
        %mul3A_453 = arith.constant 320 : i32
        %mul3A_454 = vector.broadcast %mul3A_453 : i32 to vector<16xi32>
        %mul3A_455 = arith.muli %gather3A_452, %mul3A_454 : vector<16xi32>
        %add3A_456 = arith.constant 13 : i32
        %add3A_457 = vector.broadcast %add3A_456 : i32 to vector<16xi32>
        %add3A_458 = arith.addi %mul3A_455, %add3A_457 : vector<16xi32>
        %add3A_459 = arith.constant 19 : i32
        %add3A_460 = vector.broadcast %add3A_459 : i32 to vector<16xi32>
        %add3A_461 = arith.addi %add3A_269, %add3A_460 : vector<16xi32>
        %gather3A_462 = tpu.vector_load_idx %arg6[%add3A_461] : memref<4096xi32, #tpu.memory_space<vmem>>[vector<16xi32>], vector<16xi32>,
        %mul3A_463 = arith.constant 32 : i32
        %mul3A_464 = vector.broadcast %mul3A_463 : i32 to vector<16xi32>
        %mul3A_465 = arith.muli %gather3A_462, %mul3A_464 : vector<16xi32>
        %add3A_466 = arith.constant 12 : i32
        %add3A_467 = vector.broadcast %add3A_466 : i32 to vector<16xi32>
        %add3A_468 = arith.addi %mul3A_465, %add3A_467 : vector<16xi32>
        %max3A = arith.maxsi %add3A_278, %add3A_288 : vector<16xi32>
        %max3A_469 = arith.maxsi %add3A_298, %add3A_308 : vector<16xi32>
        %max3A_470 = arith.maxsi %add3A_318, %add3A_328 : vector<16xi32>
        %max3A_471 = arith.maxsi %add3A_338, %add3A_348 : vector<16xi32>
        %max3A_472 = arith.maxsi %add3A_358, %add3A_368 : vector<16xi32>
        %max3A_473 = arith.maxsi %add3A_378, %add3A_388 : vector<16xi32>
        %max3A_474 = arith.maxsi %add3A_398, %add3A_408 : vector<16xi32>
        %max3A_475 = arith.maxsi %add3A_418, %add3A_428 : vector<16xi32>
        %max3A_476 = arith.maxsi %add3A_438, %add3A_448 : vector<16xi32>
        %max3A_477 = arith.maxsi %add3A_458, %add3A_468 : vector<16xi32>
        %max3A_478 = arith.maxsi %max3A, %max3A_469 : vector<16xi32>
        %max3A_479 = arith.maxsi %max3A_470, %max3A_471 : vector<16xi32>
        %max3A_480 = arith.maxsi %max3A_472, %max3A_473 : vector<16xi32>
        %max3A_481 = arith.maxsi %max3A_474, %max3A_475 : vector<16xi32>
        %max3A_482 = arith.maxsi %max3A_476, %max3A_477 : vector<16xi32>
        %max3A_483 = arith.maxsi %max3A_478, %max3A_479 : vector<16xi32>
        %max3A_484 = arith.maxsi %max3A_480, %max3A_481 : vector<16xi32>
        %max3A_485 = arith.maxsi %max3A_483, %max3A_484 : vector<16xi32>
        %max3A_486 = arith.maxsi %max3A_485, %max3A_482 : vector<16xi32>
        %and3A_487 = arith.constant 31 : i32
        %and3A_488 = vector.broadcast %and3A_487 : i32 to vector<16xi32>
        %and3A_489 = arith.andi %max3A_486, %and3A_488 : vector<16xi32>
        %sub3A_490 = arith.constant 31 : i32
        %sub3A_491 = vector.broadcast %sub3A_490 : i32 to vector<16xi32>
        %sub3A_492 = arith.subi %sub3A_491, %and3A_489 : vector<16xi32>
        %swap3A = arith.index_cast %mul3A_265 : i32 to index
        %swap3A_493 = tpu.vector_load %arg7[%swap3A] {strides = array<i32>} : memref<128xi32, #tpu.memory_space<vmem>>, vector<16xi32>,
        tpu.vector_store %arg7[%swap3A], %sub3A_492 {strides = array<i32>} : memref<128xi32, #tpu.memory_space<vmem>>, vector<16xi32>,
        %scan3A_494 = arith.constant 0 : i32
        scf.yield %scan3A_494 : i32
      }
      %scan3A_220 = arith.constant 8 : i32
      %jit3A_221 = arith.constant 64 : i32
      %div3A_222 = arith.divsi %add3A_199, %jit3A_221 : i32
      %sign3A_223 = arith.constant 0 : i32
      %sign3A_224 = arith.cmpi sgt, %add3A_199, %sign3A_223 : i32
      %sign3A_225 = arith.extui %sign3A_224 : i1 to i32
      %sign3A_226 = arith.constant 0 : i32
      %sign3A_227 = arith.cmpi slt, %add3A_199, %sign3A_226 : i32
      %sign3A_228 = arith.extui %sign3A_227 : i1 to i32
      %sign3A_229 = arith.subi %sign3A_225, %sign3A_228 : i32
      %sign3A_230 = arith.constant 0 : i32
      %sign3A_231 = arith.cmpi sgt, %jit3A_221, %sign3A_230 : i32
      %sign3A_232 = arith.extui %sign3A_231 : i1 to i32
      %sign3A_233 = arith.constant 0 : i32
      %sign3A_234 = arith.cmpi slt, %jit3A_221, %sign3A_233 : i32
      %sign3A_235 = arith.extui %sign3A_234 : i1 to i32
      %sign3A_236 = arith.subi %sign3A_232, %sign3A_235 : i32
      %ne3A_237 = arith.cmpi ne, %sign3A_229, %sign3A_236 : i32
      %rem3A_238 = arith.remsi %add3A_199, %jit3A_221 : i32
      %ne3A_239 = arith.constant 0 : i32
      %ne3A_240 = arith.cmpi ne, %rem3A_238, %ne3A_239 : i32
      %and3A_241 = arith.andi %ne3A_237, %ne3A_240 : i1
      %sub3A_242 = arith.constant 1 : i32
      %sub3A_243 = arith.subi %div3A_222, %sub3A_242 : i32
      %select_n3A_244 = arith.select %and3A_241, %sub3A_243, %div3A_222 : i32
      %jit3A_245 = arith.constant 64 : i32
      %eq3A_246 = arith.constant 0 : i32
      %eq3A_247 = arith.cmpi eq, %jit3A_245, %eq3A_246 : i32
      %jit3A_248 = arith.constant 1 : i32
      %select_n3A_249 = arith.select %eq3A_247, %jit3A_248, %jit3A_245 : i32
      %rem3A_250 = arith.remsi %add3A_199, %select_n3A_249 : i32
      %ne3A_251 = arith.constant 0 : i32
      %ne3A_252 = arith.cmpi ne, %rem3A_250, %ne3A_251 : i32
      %lt3A_253 = arith.constant 0 : i32
      %lt3A_254 = arith.cmpi slt, %rem3A_250, %lt3A_253 : i32
      %lt3A_255 = arith.constant 0 : i32
      %lt3A_256 = arith.cmpi slt, %select_n3A_249, %lt3A_255 : i32
      %ne3A_257 = arith.xori %lt3A_254, %lt3A_256 : i1
      %and3A_258 = arith.andi %ne3A_257, %ne3A_252 : i1
      %add3A_259 = arith.addi %rem3A_250, %select_n3A_249 : i32
      %select_n3A_260 = arith.select %and3A_258, %add3A_259, %rem3A_250 : i32
      "tpu.region"() ({
        %run_scoped3A = tpu.sem_alloc : memref<!tpu.dma_semaphore, #tpu.memory_space<semaphore_mem>>
        %dma_start3A_262 = arith.constant 0 : i32
        %dma_start3A_263 = tpu.memref_slice %arg3[%select_n3A_244, %select_n3A_260, %dma_start3A_262] : memref<8x64x128xi32, #tpu.memory_space<hbm>> -> memref<1x1x128xi32, #tpu.memory_space<hbm>>
        %dma_start3A_264 = tpu.memref_squeeze %dma_start3A_263 : memref<1x1x128xi32, #tpu.memory_space<hbm>> -> memref<128xi32, #tpu.memory_space<hbm>>
        %dma_start3A_265 = arith.constant 0 : i32
        %dma_start3A_266 = tpu.memref_slice %arg3[%select_n3A_244, %select_n3A_260, %dma_start3A_265] : memref<8x64x128xi32, #tpu.memory_space<hbm>> -> memref<1x1x128xi32, #tpu.memory_space<hbm>>
        %dma_start3A_267 = tpu.memref_squeeze %dma_start3A_266 : memref<1x1x128xi32, #tpu.memory_space<hbm>> -> memref<128xi32, #tpu.memory_space<hbm>>
        tpu.enqueue_dma source(%arg7 : memref<128xi32, #tpu.memory_space<vmem>>) target(%dma_start3A_267 : memref<128xi32, #tpu.memory_space<hbm>>) target_semaphore(%run_scoped3A : memref<!tpu.dma_semaphore, #tpu.memory_space<semaphore_mem>>)
        %dma_wait3A_268 = arith.constant 0 : i32
        %dma_wait3A_269 = tpu.memref_slice %arg3[%select_n3A_244, %select_n3A_260, %dma_wait3A_268] : memref<8x64x128xi32, #tpu.memory_space<hbm>> -> memref<1x1x128xi32, #tpu.memory_space<hbm>>
        %dma_wait3A_270 = tpu.memref_squeeze %dma_wait3A_269 : memref<1x1x128xi32, #tpu.memory_space<hbm>> -> memref<128xi32, #tpu.memory_space<hbm>>
        %dma_wait3A_271 = arith.constant 0 : i32
        %dma_wait3A_272 = tpu.memref_slice %arg3[%select_n3A_244, %select_n3A_260, %dma_wait3A_271] : memref<8x64x128xi32, #tpu.memory_space<hbm>> -> memref<1x1x128xi32, #tpu.memory_space<hbm>>
        %dma_wait3A_273 = tpu.memref_squeeze %dma_wait3A_272 : memref<1x1x128xi32, #tpu.memory_space<hbm>> -> memref<128xi32, #tpu.memory_space<hbm>>
        tpu.wait_dma2 semaphore(%run_scoped3A : memref<!tpu.dma_semaphore, #tpu.memory_space<semaphore_mem>>) src(%arg7 : memref<128xi32, #tpu.memory_space<vmem>>) dst(%dma_wait3A_273 : memref<128xi32, #tpu.memory_space<hbm>>)
        tpu.yield
      }) : () -> ()
      %scan3A_261 = arith.constant 0 : i32
      scf.yield %scan3A_261 : i32
    }
    %scan3A_57 = arith.constant 8 : i32
    return
  }
}

</mosaic_0001>

<sc_bundles>
// kernel: kernel.3.cloned.1.call-start
scs
__scs_entry_jumppad:
0x0: {  	(pc) =	sbr.rel $0x88, $3  }
0x1: {  	(tag) =	ssettag $0x0;
	lr =	simm.s32 $0x1  }
0x2: {  	[smem:$0x3F9F] =	sst lr;
	_ =	strace $0xD0000000  }
0x3: {  	_ = 	snop  }
0x4: {  	_ = 	snop  }
0x5: {  	_ = 	snop  }
0x6: {  	_ = 	snop  }
0x7: {  	_ = 	snop  }
__scs_overlays_trampoline_lowered:
0x8: {  	[smem:$0x3FAE] =	sst s0  }
0x9: {  	[smem:$0x3FAF] =	sst s1  }
0xa: {  	[smem:$0x3FB0] =	sst s2  }
0xb: {  	[smem:$0x3FB1] =	sst s3  }
0xc: {  	[smem:$0x3FB2] =	sst s4  }
0xd: {  	[smem:$0x3FB3] =	sst s5  }
0xe: {  	[smem:$0x3FB4] =	sst s6  }
0xf: {  	[smem:$0x3FB5] =	sst s7  }
0x10: {  	[smem:$0x3FB6] =	sst s8  }
0x11: {  	[smem:$0x3FB7] =	sst s9;
	s0 =	simm.s32 @!p0 $0x0  }
0x12: {  	s1 =	sld [smem:$0x3F9D];
	s0 =	simm.s32 @p0 $0x1  }
0x13: {  	[smem:$0x3FB8] =	sst s0;
	s0 =	simm.s32 @!p1 $0x0  }
0x14: {  	s2 =	sld [smem:$0x3F9C];
	s0 =	simm.s32 @p1 $0x1  }
0x15: {  	[smem:$0x3FB9] =	sst s0;
	s0 =	simm.s32 @!p2 $0x0  }
0x16: {  	s3 =	sld [smem:$0x3FDB];
	s0 =	simm.s32 @p2 $0x1  }
0x17: {  	s4 =	simm.s32 $0x1BF5;
	[smem:$0x3FBB] =	sst s0  }
0x18: {  	s0 =	sld [smem:$0x3F9E];
	_ =	swait.ge [sflag:s4], $0x0  }
0x19: {  	s7 =	sld [smem:$0x3F9F]  }
0x1a: {  	s8 =	sadd.s32 $0xFFFFE003, lr  }
0x1b: {  	s9 =	sadd.s32 $0xFFFFFEF7, lr;
	s5 =	simm.s32 $0xFFFFFFFF;
	p2 =	slt.u32 s8, $0xFFFFF086  }
0x1c: {  	p1 =	slt.u32 s9, $0xF7A;
	s5 =	simm.s32 @!p2 $0x0  }
0x1d: {  	s5 =	simm.s32 @p1 $0x1;
	p0 =	seq.s32 s7, s2  }
0x1e: {  	s7 =	smul.u32 @!p0 $0xF7A, s2;
	p2 =	seq.s32 @!p0 s5, $0x0  }
0x1f: {  	s9 =	smul.u32 $0xF7A, s1;
	s8 =	simm.s32 @!p0 $0x1BF5;
	p2 =	por !p2, p0  }
0x20: {  	[sflag:s8] =	ssyncset.s32 @!p0 $0xFFFFF086;
	s6 =	sadd.s32 @!p0 s3, s7;
	s7 =	simm.s32 @!p0 $0x108  }
0x21: {  	s3 =	sadd.s32 s3, s9;
	s6 =	sadd.s32 @!p0 $0x88, s6;
	s7 =	simm.s32 @p2 $0x1082  }
0x22: {  	[simem:s7], [sflag:s8] =	dma.local @!p0 [hbm:s6], $0xF7A  }
0x23: {  	s9 =	sor.u32 $0xD0000000, s2;
	s6 =	simm.s32 $0x108;
	_ =	swait.ge @!p0 [sflag:s8], $0x0  }
0x24: {  	s3 =	sadd.s32 $0x88, s3;
	s6 =	simm.s32 @!p1 $0x1082;
	[sflag:s4] =	ssyncset.s32 $0xFFFFF086  }
0x25: {  	[simem:s6], [sflag:s4] =	dma.local [hbm:s3], $0xF7A  }
0x26: {  	[smem:$0x3F9F] =	sst s1;
	(tag) =	ssettag s2;
	_ =	strace s9  }
0x27: {  	s1 =	sld [smem:$0x3FAF]  }
0x28: {  	s2 =	sld [smem:$0x3FB0]  }
0x29: {  	s4 =	sld [smem:$0x3FB2]  }
0x2a: {  	p0 =	seq.s32 s5, $0x0;
	s5 =	sld [smem:$0x3FB3]  }
0x2b: {  	s6 =	sld [smem:$0x3FB4]  }
0x2c: {  	s7 =	sld [smem:$0x3FB5]  }
0x2d: {  	s3 =	simm.s32 $0x108;
	s8 =	sld [smem:$0x3FB6]  }
0x2e: {  	s3 =	simm.s32 @!p0 $0x1082;
	s9 =	sld [smem:$0x3FB7]  }
0x2f: {  	lr =	sadd.s32 s0, s3;
	s0 =	sld [smem:$0x3FAE]  }
0x30: {  	s3 =	sld [smem:$0x3FB1]  }
0x31: {  	[smem:$0x3FBA] =	sst s10  }
0x32: {  	s10 =	sld [smem:$0x3FB8];
	_ =	sdelay $0x3  }
0x33: {  	p0 =	seq.s32 s10, $0x1;
	s10 =	sld [smem:$0x3FBA];
	_ =	sdelay $0x3  }
0x34: {  	[smem:$0x3FBA] =	sst s10  }
0x35: {  	s10 =	sld [smem:$0x3FB9];
	_ =	sdelay $0x3  }
0x36: {  	p1 =	seq.s32 s10, $0x1;
	s10 =	sld [smem:$0x3FBA];
	_ =	sdelay $0x3  }
0x37: {  	[smem:$0x3FBA] =	sst s10  }
0x38: {  	s10 =	sld [smem:$0x3FBB]  }
0x39: {  	_ = 	snop;
	(pc) =	sbr.ind lr, $3  }
0x3a: {  	_ = 	snop  }
0x3b: {  	_ = 	snop  }
0x3c: {  	p2 =	seq.s32 s10, $0x1;
	s10 =	sld [smem:$0x3FBA]  }
0x3d: {  	_ =	shalt  }
0x3e: {  	_ =	shalt  }
0x3f: {  	_ =	shalt  }
0x40: {  	_ =	shalt  }
0x41: {  	_ =	shalt  }
0x42: {  	_ =	shalt  }
0x43: {  	_ =	shalt  }
0x44: {  	_ =	shalt  }
0x45: {  	_ =	shalt  }
0x46: {  	_ =	shalt  }
0x47: {  	_ =	shalt  }
0x48: {  	_ =	shalt  }
0x49: {  	_ =	shalt  }
0x4a: {  	_ =	shalt  }
0x4b: {  	_ =	shalt  }
0x4c: {  	_ =	shalt  }
0x4d: {  	_ =	shalt  }
0x4e: {  	_ =	shalt  }
0x4f: {  	_ =	shalt  }
0x50: {  	_ =	shalt  }
0x51: {  	_ =	shalt  }
0x52: {  	_ =	shalt  }
0x53: {  	_ =	shalt  }
0x54: {  	_ =	shalt  }
0x55: {  	_ =	shalt  }
0x56: {  	_ =	shalt  }
0x57: {  	_ =	shalt  }
0x58: {  	_ =	shalt  }
0x59: {  	_ =	shalt  }
0x5a: {  	_ =	shalt  }
0x5b: {  	_ =	shalt  }
0x5c: {  	_ =	shalt  }
0x5d: {  	_ =	shalt  }
0x5e: {  	_ =	shalt  }
0x5f: {  	_ =	shalt  }
0x60: {  	_ =	shalt  }
0x61: {  	_ =	shalt  }
0x62: {  	_ =	shalt  }
0x63: {  	_ =	shalt  }
0x64: {  	_ =	shalt  }
0x65: {  	_ =	shalt  }
0x66: {  	_ =	shalt  }
0x67: {  	_ =	shalt  }
0x68: {  	_ =	shalt  }
0x69: {  	_ =	shalt  }
0x6a: {  	_ =	shalt  }
0x6b: {  	_ =	shalt  }
0x6c: {  	_ =	shalt  }
0x6d: {  	_ =	shalt  }
0x6e: {  	_ =	shalt  }
0x6f: {  	_ =	shalt  }
0x70: {  	_ =	shalt  }
0x71: {  	_ =	shalt  }
0x72: {  	_ =	shalt  }
0x73: {  	_ =	shalt  }
0x74: {  	_ =	shalt  }
0x75: {  	_ =	shalt  }
0x76: {  	_ =	shalt  }
0x77: {  	_ =	shalt  }
0x78: {  	_ =	shalt  }
0x79: {  	_ =	shalt  }
0x7a: {  	_ =	shalt  }
0x7b: {  	_ =	shalt  }
0x7c: {  	_ =	shalt  }
0x7d: {  	_ =	shalt  }
0x7e: {  	_ =	shalt  }
0x7f: {  	_ =	shalt  }
0x80: {  	_ =	shalt  }
0x81: {  	_ =	shalt  }
0x82: {  	_ =	shalt  }
0x83: {  	_ =	shalt  }
0x84: {  	_ =	shalt  }
0x85: {  	_ =	shalt  }
0x86: {  	_ =	shalt  }
0x87: {  	_ =	shalt  }
.Lfunc_end0:
.L_simem_size_0:
called_computation_lowered:
.L_overlay_start_0:
0x88: {  	s2 =	sld [smem:$0x3FD9]  }
0x89: {  	s3 =	sld [smem:$0x3FFE];
	_ =	sdelay $0x1  }
0x8a: {  	s1 =	srdreg.scid  }
0x8b: {  	s0 =	sand.u32 $0x1, s1  }
0x8c: {  	s18 =	sshll.u32 s0, $0xA;
	s2 =	sadd.s32 s3, s2  }
0x8d: {  	s2 =	sadd.s32 s2, s18  }
0x8e: {  	[smem:$0x3FC6] =	sst s2  }
0x8f: {  	_ = 	snop  }
0x90: {  	s2 =	sld [smem:$0x3FC9]  }
0x91: {  	s19 =	sld [smem:$0x3FD0];
	(tm) =	ssettm $0x1  }
0x92: {  	s4 =	sld [smem:$0x3FFB];
	_ =	sdelay $0x3  }
0x93: {  	_ =	strace s4  }
0x94: {  	s4 =	sld [smem:$0x3FFC];
	_ =	sdelay $0x3  }
0x95: {  	_ =	strace s4  }
0x96: {  	s4 =	sld [smem:$0x3FFD];
	_ =	sdelay $0x3  }
0x97: {  	_ =	strace s4  }
0x98: {  	_ =	strace $0x8FFFFFFF  }
0x99: {  	s20 =	sld [smem:$0x3FDB];
	_ =	sdelay $0x1  }
0x9a: {  	s5 =	simm.s32 $_scs_section_size  }
0x9b: {  	s6 =	simm.s32 $_size__tile_overlayer_lowered;
	s7 =	simm.s32 $_tile_overlayer_lowered  }
0x9c: {  	s23 =	simm.s32 $0x1BFF;
	s22 =	sshll.u32 s7, $0x1;
	s4 =	sadd.s32 s5, s20  }
0x9d: {  	s8 =	simm.s32 $0x0;
	s21 =	sshll.u32 s6, $0x1;
	s6 =	sadd.s32 s22, s4  }
0x9e: {  	[timem:s8], [sflag:s23] =	dma.local [hbm:s6], s21  }
0x9f: {  	_ =	swait.ge [sflag:s23], s21  }
0xa0: {  	s5 =	ssub.s32 $0x0, s21;
	[sflag:s23] =	ssyncset.done $0x0  }
0xa1: {  	[sflag:s23] =	ssyncadd.s32 s5;
	_ =	sdelay $0x1  }
0xa2: {  	s24 =	simm.s32 $0x1B8B  }
0xa3: {  	_ =	swait.ge [sflag:s24], $0x1  }
0xa4: {  	[sflag:s24] =	ssyncset.done $0x0  }
0xa5: {  	s25 =	simm.s32 $0x1B8E;
	[sflag:s24] =	ssyncadd.s32 $0xFFFFFFFF  }
0xa6: {  	s26 =	simm.s32 $execute0_lowered;
	[smem:$0x3FD2] =	sst s25  }
0xa7: {  	s5 =	sshll.u32 s26, $0x1;
	_ =	strace $0x80000046;
	[dreg:$0x1] =	wrdreg $0xFFFFFFFF  }
0xa8: {  	s28 =	simm.s32 $_size_execute0_lowered;
	s4 =	sadd.s32 s4, s5;
	[dreg:$0x0] =	wrdreg $0x0  }
0xa9: {  	s5 =	sshll.u32 s28, $0x1;
	[dreg:$0x2] =	wrdreg s4  }
0xaa: {  	[dreg:$0x3] =	wrdreg s5  }
0xab: {  	[dreg:$0x4] =	wrdreg $0xC0  }
0xac: {  	_ =	task [dreg:s8], $0x5FFFF  }
0xad: {  	[dreg:$0x1] =	wrdreg $0xFFFFFFFF  }
0xae: {  	[dreg:$0x0] =	wrdreg $0x60  }
0xaf: {  	[dreg:$0x2] =	wrdreg s2  }
0xb0: {  	[dreg:$0x3] =	wrdreg s19  }
0xb1: {  	[dreg:$0x4] =	wrdreg $0x9  }
0xb2: {  	_ =	task.clear_ibuf [dreg:s8], $0x5FFFF;
	_ =	strace $0x90000046  }
0xb3: {  	s29 =	simm.s32 $0x9;
	_ =	strace $0x80000048  }
0xb4: {  	_ =	swait.ge [sflag:s29], $0x1  }
0xb5: {  	[sflag:s29] =	ssyncadd.s32 $0xFFFFFFFF  }
0xb6: {  	_ =	strace $0x90000048  }
0xb7: {  	_ =	sfence  }
0xb8: {  	s30 =	sld [smem:$0x0];
	_ =	sdelay $0x2  }
0xb9: {  	s31 =	sshll.u32 s1, $0xD;
	s1 =	sshrl.u32 s1, $0x2  }
0xba: {  	s3 =	sand.u32 $0x4000, s31;
	s1 =	sadd.s32 s1, s30  }
0xbb: {  	s0 =	sor.u32 s3, s0;
	s1 =	sshll.u32 s1, $0x11  }
0xbc: {  	s0 =	sor.u32 s1, s0  }
0xbd: {  	s0 =	sadd.s32 $0x8F2B, s0  }
0xbe: {  	[sflag:s0] =	ssyncadd.remote.s32 $0x1  }
0xbf: {  	_ =	sfence.sel $0xFFFF  }
0xc0: {  	[dreg:$0x0] =	wrdreg $0xFFFFFFFF;
	(pc) =	sbr.abs _section_cstart, $3  }
0xc1: {  	[dreg:$0x1] =	wrdreg $0xFFFFFFFF  }
0xc2: {  	_ =	task.clear_ibuf [dreg:s8], $0x2FFFF;
	_ =	strace $0x9FFFFFFF  }
0xc3: {  	(tm) =	ssettm $0x7FFFFFFF  }
tec
execute0_lowered:
.L_overlay_start_1:
0x0: {  	(tag) =	ssettag $0x1  }
0x1: {  	s1 =	rddreg [dreg:$0x0]  }
0x2: {  	s2 =	rddreg [dreg:$0x1];
	s5 =	srdreg.scid  }
0x3: {  	v0 =	vlaneseq.u32;
	s4 =	simm.s32 $0x0;
	s0 =	stileid.u32;
	s12 =	simm.s32 $0x2000  }
0x4: {  	s13 =	simm.s32 $0x1;
	s14 =	simm.s32 $0x4000;
	s15 =	simm.s32 $0x5000;
	v1 =	vand.u32 $0x3, v0;
	v2 =	vshrl.u32 v0, $0x3;
	v0 =	vmul.u32 $0x20, v0  }
0x5: {  	v3 =	vimm.s32 $0x1;
	s16 =	simm.s32 $0x3;
	s17 =	simm.s32 $0x2;
	s18 =	simm.s32 $0x0;
	v4 =	vmul.u32 $0x20, v1;
	v1 =	vimm.s32 $0x0  }
0x6: {  	s5 =	sand.u32 $0x1, s5;
	[smem:$0x7FF] =	sst s4;
	s6 =	sshll.u32 s0, $0x5;
	v2 =	vmul.u32 $0x20, v2;
	v5 =	vor.u32 $0x1, v0;
	v6 =	vor.u32 $0x2, v0  }
0x7: {  	s10 =	sshrl.u32 s0, $0x1;
	s8 =	sshll.u32 s0, $0x9;
	s7 =	sshll.u32 s5, $0x4;
	v7 =	vor.u32 $0x3, v0;
	v8 =	vor.u32 $0x4, v0;
	v9 =	vor.u32 $0x5, v0  }
0x8: {  	_ =	strace $0x80000047;
	s5 =	ssub.s32 $0x2, s5;
	s31 =	sshll.u32 s10, $0x10;
	v10 =	vor.u32 $0x6, v0;
	v11 =	vor.u32 $0x7, v0;
	v12 =	vor.u32 $0x8, v0  }
0x9: {  	s8 =	sand.u32 $0x1C00, s8;
	s10 =	sshll.u32 s10, $0xA;
	s9 =	sor.u32 s7, s6;
	v13 =	vor.u32 $0x9, v0;
	v14 =	vor.u32 $0xA, v0;
	v15 =	vor.u32 $0xB, v0  }
0xa: {  	s30 =	sshrl.u32 s5, $0x1;
	s10 =	sadd.s32 s2, s10;
	v16 =	vor.u32 $0xC, v0;
	v17 =	vor.u32 $0xD, v0;
	v18 =	vor.u32 $0xE, v0;
	s7 =	sshll.u32 s9, $0xA  }
0xb: {  	v19 =	vor.u32 $0xF, v0;
	v20 =	vor.u32 $0x10, v0;
	v21 =	vor.u32 $0x11, v0;
	s11 =	ssub.s32 s5, s30;
	s6 =	sand.u32 $0x30, s9;
	s9 =	sor.u32 $0x2, s9  }
0xc: {  	v22 =	vor.u32 $0x12, v0;
	v23 =	vor.u32 $0x13, v0;
	v4 =	vor.u32 $0xFFFFFF80, v4;
	s5 =	sadd.s32 s1, s7;
	s7 =	sadd.s32 s1, s31;
	s11 =	smax.u32 s11, $0x1  }
.LBB2_1:
0xd: {  	[tilespmem:s4], [sflag:$0x1] =	stream.linear.gather [hbm4b:s5+s4], $0x2000, $0x38;
	[tilespmem:$0x5080] =	vst v63  }
0xe: {  	s19 =	simm.s32 $0x0  }
.LBB2_2:
0xf: {  	s21 =	sshllo.u32 s19, $0x1  }
0x10: {  	s20 =	sor.u32 s6, s21  }
0x11: {  	s22 =	sshll.u32 s20, $0xA  }
0x12: {  	s23 =	simm.s32 $0x0;
	s22 =	sadd.s32 s22, s7  }
0x13: {  	[tilespmem:s12], [sflag:$0x2] =	stream.linear.gather [hbm4b:s22+s23], $0x2000, $0x38;
	[tilespmem:$0x5080] =	vst v63  }
0x14: {  	_ =	swait.ge [sflag:s13], $0x2000  }
0x15: {  	s24 =	simm.s32 $0x0;
	[sflag:s13] =	ssyncset.done $0x0  }
0x16: {  	s25 =	simm.s32 $0x400;
	s22 =	sshll.u32 s19, $0x1;
	[sflag:s13] =	ssyncadd.s32 $0xFFFFE000  }
.LBB2_3:
0x17: {  	p0 =	sne.s32 s25, $0x3C00;
	[tilespmem:s24+$0x40F0] =	vst v1  }
0x18: {  	[tilespmem:s24+$0x4000] =	vst v1  }
0x19: {  	[tilespmem:s24+$0x4010] =	vst v1  }
0x1a: {  	[tilespmem:s24+$0x4020] =	vst v1  }
0x1b: {  	[tilespmem:s24+$0x4030] =	vst v1  }
0x1c: {  	[tilespmem:s24+$0x4040] =	vst v1  }
0x1d: {  	[tilespmem:s24+$0x4050] =	vst v1  }
0x1e: {  	[tilespmem:s24+$0x4060] =	vst v1  }
0x1f: {  	[tilespmem:s24+$0x4070] =	vst v1  }
0x20: {  	[tilespmem:s24+$0x4080] =	vst v1  }
0x21: {  	[tilespmem:s24+$0x4090] =	vst v1  }
.Ltmp0:
0x22: {  	[tilespmem:s24+$0x40A0] =	vst v1;
	(pc) =	sbr.rel @p0 .LBB2_3-.Ltmp0, $4  }
0x23: {  	[tilespmem:s24+$0x40B0] =	vst v1  }
0x24: {  	[tilespmem:s24+$0x40C0] =	vst v1  }
0x25: {  	[tilespmem:s24+$0x40D0] =	vst v1  }
0x26: {  	[tilespmem:s24+$0x40E0] =	vst v1;
	s24 =	sshra.s32 s25, $0x2;
	s25 =	sadd.s32 $0x400, s25  }
0x27: {  	[tilespmem:s24+$0x40F0] =	vst v1  }
0x28: {  	[tilespmem:s24+$0x4000] =	vst v1  }
0x29: {  	[tilespmem:s24+$0x4010] =	vst v1  }
0x2a: {  	[tilespmem:s24+$0x4020] =	vst v1  }
0x2b: {  	[tilespmem:s24+$0x4030] =	vst v1  }
0x2c: {  	[tilespmem:s24+$0x4040] =	vst v1  }
0x2d: {  	[tilespmem:s24+$0x4050] =	vst v1  }
0x2e: {  	[tilespmem:s24+$0x4060] =	vst v1  }
0x2f: {  	[tilespmem:s24+$0x4070] =	vst v1  }
0x30: {  	[tilespmem:s24+$0x4080] =	vst v1  }
0x31: {  	[tilespmem:s24+$0x4090] =	vst v1  }
0x32: {  	[tilespmem:s24+$0x40A0] =	vst v1  }
0x33: {  	[tilespmem:s24+$0x40B0] =	vst v1  }
0x34: {  	[tilespmem:s24+$0x40C0] =	vst v1;
	s25 =	simm.s32 $0x0  }
0x35: {  	[tilespmem:s24+$0x40D0] =	vst v1;
	s26 =	sor.u32 s23, s25  }
0x36: {  	[tilespmem:s24+$0x40E0] =	vst v1;
	s31 =	sand.u32 $0x1C00, s23;
	s30 =	sand.u32 $0x60, s25;
	s26 =	sor.u32 $0x380, s26  }
0x37: {  	s24 =	sor.u32 s30, s31;
	v24 =	vld [tilespmem:s26+$0x0]  }
0x38: {  	v25 =	vld [tilespmem:s24+$0x280]  }
0x39: {  	v26 =	vld [tilespmem:s24+$0x200]  }
0x3a: {  	v27 =	vld [tilespmem:s24+$0x180]  }
0x3b: {  	s28 =	simm.s32 $0x10;
	v28 =	vld [tilespmem:s24+$0x100]  }
0x3c: {  	s28 =	sand.u32 $0x70, s28;
	v29 =	vld [tilespmem:s24+$0x80]  }
0x3d: {  	s25 =	sor.u32 s28, s31;
	v30 =	vld [tilespmem:s24+$0x0]  }
0x3e: {  	v32 =	vld [tilespmem:s25+$0x0]  }
0x3f: {  	s28 =	sand.u32 $0x3, s23;
	v33 =	vld [tilespmem:s25+$0x100]  }
0x40: {  	s0 =	sand.u32 $0x7, s23;
	s24 =	sshll.u32 s28, $0x5;
	v35 =	vld [tilespmem:s25+$0x80]  }
0x41: {  	v34 =	vor.u32 s23, v2;
	s26 =	sshll.u32 s0, $0x4;
	v36 =	vld [tilespmem:s25+$0x180];
	s24 =	sadd.s32 $0x0, s24  }
0x42: {  	v38 =	vld [tilespmem:s25+$0x280];
	s26 =	sadd.s32 $0x0, s26;
	s24 =	sor.u32 $0x300, s24;
	v30 =	vadd.s32 v34, v30  }
0x43: {  	s26 =	sadd.s32 $0x10, s26;
	v37 =	vld [tilespmem:s24+$0x0];
	v29 =	vadd.s32 v34, v29  }
0x44: {  	v39 =	vld [tilespmem:s25+$0x200];
	s3 =	sor.u32 $0x380, s26;
	v28 =	vadd.s32 v34, v28  }
0x45: {  	s30 =	sor.u32 $0x300, s26;
	v31 =	vld [tilespmem:s3+$0x0];
	v27 =	vadd.s32 v34, v27  }
0x46: {  	v40 =	vld [tilespmem:s30+$0x0];
	v26 =	vadd.s32 v34, v26  }
0x47: {  	v25 =	vadd.s32 v34, v25;
	[tilespmem:v30+s14+$0x0] =	vst.idx.add.s32.msk $0xffff, v3  }
0x48: {  	s31 =	simm.s32 $0x40;
	v30 =	vadd.s32 v34, v37;
	[tilespmem:v29+s14+$0x0] =	vst.idx.add.s32.msk $0xffff, v3  }
0x49: {  	v24 =	vadd.s32 v34, v24;
	v29 =	vor.u32 s31, v2;
	[tilespmem:v28+s14+$0x0] =	vst.idx.add.s32.msk $0xffff, v3  }
0x4a: {  	v28 =	vadd.s32 v29, v32;
	[tilespmem:v27+s14+$0x0] =	vst.idx.add.s32.msk $0xffff, v3  }
0x4b: {  	v63 =	vadd.s32 v29, v35;
	[tilespmem:v26+s14+$0x0] =	vst.idx.add.s32.msk $0xffff, v3  }
0x4c: {  	v33 =	vadd.s32 v29, v33;
	[tilespmem:v25+s14+$0x0] =	vst.idx.add.s32.msk $0xffff, v3  }
0x4d: {  	[tilespmem:v30+s14+$0x0] =	vst.idx.add.s32.msk $0xffff, v3  }
0x4e: {  	v25 =	vadd.s32 v29, v36;
	[tilespmem:v24+s14+$0x0] =	vst.idx.add.s32.msk $0xffff, v3  }
0x4f: {  	[tilespmem:v28+s14+$0x0] =	vst.idx.add.s32.msk $0xffff, v3;
	v28 =	vadd.s32 v29, v39  }
0x50: {  	s29 =	simm.s32 $0x30;
	v27 =	vadd.s32 v29, v38;
	[tilespmem:v63+s14+$0x0] =	vst.idx.add.s32.msk $0xffff, v3  }
0x51: {  	s25 =	simm.s32 $0x1;
	s24 =	simm.s32 $0x100;
	s26 =	simm.s32 $0x2;
	v26 =	vadd.s32 v29, v40;
	v24 =	vadd.s32 v29, v31;
	[tilespmem:v33+s14+$0x0] =	vst.idx.add.s32.msk $0xffff, v3  }
.LBB2_5:
0x52: {  	s30 =	sadd.s32 $0xFFFFFFF0, s29  }
0x53: {  	[tilespmem:v25+s14+$0x0] =	vst.idx.add.s32.msk $0xffff, v3;
	s23 =	sadd.s32 $0x80, s23;
	s31 =	smov.u32 s29;
	s28 =	sadd.s32 $0x20, s29  }
0x54: {  	s3 =	sand.u32 $0x1C00, s24;
	s0 =	sand.u32 $0x60, s30;
	s31 =	sand.u32 $0x70, s31;
	[tilespmem:v28+s14+$0x0] =	vst.idx.add.s32.msk $0xffff, v3  }
0x55: {  	s30 =	sor.u32 s24, s30;
	s0 =	sor.u32 s0, s3;
	s3 =	sor.u32 s31, s3;
	[tilespmem:v27+s14+$0x0] =	vst.idx.add.s32.msk $0xffff, v3  }
0x56: {  	p0 =	sne.s32 s29, $0x3F0;
	s30 =	sor.u32 $0x380, s30;
	[tilespmem:v26+s14+$0x0] =	vst.idx.add.s32.msk $0xffff, v3  }
0x57: {  	[tilespmem:v24+s14+$0x0] =	vst.idx.add.s32.msk $0xffff, v3  }
0x58: {  	s29 =	sand.u32 $0x3, s25;
	v24 =	vld [tilespmem:s30+$0x0]  }
0x59: {  	s29 =	sshll.u32 s29, $0x5;
	s30 =	sand.u32 $0x7, s26;
	v25 =	vld [tilespmem:s0+$0x280]  }
0x5a: {  	s29 =	sadd.s32 s29, s24;
	s30 =	sshll.u32 s30, $0x4;
	v26 =	vld [tilespmem:s0+$0x200]  }
0x5b: {  	s29 =	sor.u32 $0x300, s29;
	s30 =	sadd.s32 s24, s30;
	v27 =	vld [tilespmem:s0+$0x180]  }
0x5c: {  	s30 =	sadd.s32 $0x10, s30;
	v28 =	vld [tilespmem:s0+$0x100]  }
0x5d: {  	s31 =	sor.u32 $0x300, s30;
	v29 =	vld [tilespmem:s0+$0x80]  }
0x5e: {  	v30 =	vor.u32 s23, v2;
	v31 =	vld [tilespmem:s0+$0x0];
	s0 =	sor.u32 $0x380, s30  }
0x5f: {  	v26 =	vadd.s32 v30, v26;
	v32 =	vld [tilespmem:s0+$0x0]  }
0x60: {  	v33 =	vadd.s32 v30, v25;
	v25 =	vld [tilespmem:s3+$0x0]  }
0x61: {  	v28 =	vadd.s32 v30, v28;
	v34 =	vld [tilespmem:s3+$0x100]  }
0x62: {  	v24 =	vadd.s32 v30, v24;
	v35 =	vld [tilespmem:s3+$0x80]  }
0x63: {  	s0 =	sadd.s32 $0x40, s23;
	v31 =	vadd.s32 v30, v31;
	v36 =	vld [tilespmem:s3+$0x180]  }
0x64: {  	v38 =	vor.u32 s0, v2;
	v29 =	vadd.s32 v30, v29;
	v37 =	vld [tilespmem:s29+$0x0]  }
0x65: {  	v39 =	vadd.s32 v38, v25;
	v40 =	vld [tilespmem:s3+$0x280]  }
0x66: {  	v27 =	vadd.s32 v30, v27;
	v41 =	vld [tilespmem:s3+$0x200]  }
0x67: {  	v35 =	vadd.s32 v38, v35;
	v42 =	vld [tilespmem:s31+$0x0]  }
0x68: {  	v34 =	vadd.s32 v38, v34;
	[tilespmem:v31+s14+$0x0] =	vst.idx.add.s32.msk $0xffff, v3  }
0x69: {  	v30 =	vadd.s32 v30, v37;
	[tilespmem:v29+s14+$0x0] =	vst.idx.add.s32.msk $0xffff, v3  }
0x6a: {  	v25 =	vadd.s32 v38, v36;
	[tilespmem:v28+s14+$0x0] =	vst.idx.add.s32.msk $0xffff, v3  }
0x6b: {  	[tilespmem:v27+s14+$0x0] =	vst.idx.add.s32.msk $0xffff, v3  }
0x6c: {  	[tilespmem:v26+s14+$0x0] =	vst.idx.add.s32.msk $0xffff, v3  }
0x6d: {  	[tilespmem:v33+s14+$0x0] =	vst.idx.add.s32.msk $0xffff, v3  }
.Ltmp1:
0x6e: {  	[tilespmem:v30+s14+$0x0] =	vst.idx.add.s32.msk $0xffff, v3;
	(pc) =	sbr.rel @p0 .LBB2_5-.Ltmp1, $4  }
0x6f: {  	v28 =	vadd.s32 v38, v41;
	[tilespmem:v24+s14+$0x0] =	vst.idx.add.s32.msk $0xffff, v3  }
0x70: {  	v27 =	vadd.s32 v38, v40;
	[tilespmem:v39+s14+$0x0] =	vst.idx.add.s32.msk $0xffff, v3  }
0x71: {  	s25 =	sadd.s32 $0x1, s25;
	v26 =	vadd.s32 v38, v42;
	[tilespmem:v35+s14+$0x0] =	vst.idx.add.s32.msk $0xffff, v3  }
0x72: {  	s26 =	sadd.s32 $0x2, s26;
	s24 =	sadd.s32 $0x100, s24;
	s29 =	smov.u32 s28;
	v24 =	vadd.s32 v38, v32;
	[tilespmem:v34+s14+$0x0] =	vst.idx.add.s32.msk $0xffff, v3  }
0x73: {  	_ =	sdelay $0x2  }
0x74: {  	s0 =	simm.s32 $0x0  }
0x75: {  	[tilespmem:v25+s14+$0x0] =	vst.idx.add.s32.msk $0xffff, v3;
	v25 =	vor.u32 s0, v20  }
0x76: {  	[tilespmem:v28+s14+$0x0] =	vst.idx.add.s32.msk $0xffff, v3;
	v28 =	vor.u32 s0, v21  }
0x77: {  	v29 =	vor.u32 s0, v23;
	[tilespmem:v27+s14+$0x0] =	vst.idx.add.s32.msk $0xffff, v3  }
0x78: {  	v30 =	vor.u32 s0, v6;
	[tilespmem:v26+s14+$0x0] =	vst.idx.add.s32.msk $0xffff, v3  }
0x79: {  	v31 =	vor.u32 s0, v7;
	[tilespmem:v24+s14+$0x0] =	vst.idx.add.s32.msk $0xffff, v3  }
0x7a: {  	v32 =	vor.u32 s0, v8;
	v25 =	vld.idx.msk [tilespmem:v25+s14+$0x0], $0xffff  }
0x7b: {  	v34 =	vor.u32 s0, v10;
	v28 =	vld.idx.msk [tilespmem:v28+s14+$0x0], $0xffff  }
0x7c: {  	v35 =	vor.u32 s0, v11;
	v29 =	vld.idx.msk [tilespmem:v29+s14+$0x0], $0xffff  }
0x7d: {  	v38 =	vor.u32 s0, v14;
	v30 =	vld.idx.msk [tilespmem:v30+s14+$0x0], $0xffff  }
0x7e: {  	v39 =	vor.u32 s0, v15;
	v31 =	vld.idx.msk [tilespmem:v31+s14+$0x0], $0xffff  }
0x7f: {  	v43 =	vor.u32 s0, v19;
	v32 =	vld.idx.msk [tilespmem:v32+s14+$0x0], $0xffff  }
0x80: {  	v27 =	vor.u32 s0, v22;
	v26 =	vor.u32 s0, v0;
	v34 =	vld.idx.msk [tilespmem:v34+s14+$0x0], $0xffff  }
0x81: {  	v24 =	vand.u32 v4, v26;
	v35 =	vld.idx.msk [tilespmem:v35+s14+$0x0], $0xffff  }
0x82: {  	v26 =	vor.u32 s0, v5;
	v44 =	vld.idx.msk [tilespmem:v38+s14+$0x0], $0xffff  }
0x83: {  	v45 =	vld.idx.msk [tilespmem:v39+s14+$0x0], $0xffff  }
0x84: {  	v47 =	vld.idx.msk [tilespmem:v43+s14+$0x0], $0xffff  }
0x85: {  	v33 =	vor.u32 s0, v9;
	v36 =	vor.u32 s0, v12;
	v37 =	vor.u32 s0, v13;
	v27 =	vld.idx.msk [tilespmem:v27+s14+$0x0], $0xffff  }
0x86: {  	v40 =	vor.u32 s0, v16;
	v41 =	vor.u32 s0, v17;
	v42 =	vor.u32 s0, v18;
	v24 =	vld.idx.msk [tilespmem:v24+s14+$0x0], $0xffff  }
0x87: {  	v26 =	vld.idx.msk [tilespmem:v26+s14+$0x0], $0xffff;
	v25 =	vmul.u32 $0x140, v25;
	v28 =	vmul.u32 $0x140, v28;
	v30 =	vshll.u32 v30, $0x5  }
0x88: {  	v31 =	vshll.u32 v31, $0x5;
	v29 =	vshll.u32 v29, $0x5;
	v32 =	vshll.u32 v32, $0x5  }
0x89: {  	v34 =	vmul.u32 $0x140, v34;
	v35 =	vmul.u32 $0x140, v35;
	v49 =	vshll.u32 v44, $0x5  }
0x8a: {  	v50 =	vmul.u32 $0x140, v45;
	v51 =	vmul.u32 $0x140, v47;
	v27 =	vmul.u32 $0x140, v27  }
0x8b: {  	v30 =	vor.u32 $0x1D, v30;
	v31 =	vor.u32 $0x1C, v31;
	v29 =	vor.u32 $0xC, v29  }
0x8c: {  	v33 =	vld.idx.msk [tilespmem:v33+s14+$0x0], $0xffff;
	v25 =	vor.u32 $0xF, v25;
	v24 =	vshll.u32 v24, $0x5;
	v26 =	vshll.u32 v26, $0x5  }
0x8d: {  	v63 =	vld.idx.msk [tilespmem:v37+s14+$0x0], $0xffff;
	v28 =	vor.u32 $0xE, v28;
	v24 =	vor.u32 $0x1F, v24;
	v26 =	vor.u32 $0x1E, v26  }
0x8e: {  	v46 =	vld.idx.msk [tilespmem:v41+s14+$0x0], $0xffff;
	vm1 =	vgt.s32 v30, v31;
	vm0 =	vgt.s32 v25, v28;
	vm5 =	vgt.s32 v24, v26  }
0x8f: {  	v25 =	vsel vm0, v25, v28;
	v28 =	vld.idx.msk [tilespmem:v36+s14+$0x0], $0xffff;
	v24 =	vsel vm5, v24, v26;
	v26 =	vsel vm1, v30, v31  }
0x90: {  	v34 =	vor.u32 $0x19, v34;
	v35 =	vor.u32 $0x18, v35;
	v30 =	vld.idx.msk [tilespmem:v40+s14+$0x0], $0xffff;
	vm0 =	vgt.s32 v24, v26  }
0x91: {  	v32 =	vor.u32 $0x1B, v32;
	vm7 =	vgt.s32 v34, v35;
	v24 =	vsel vm0, v24, v26;
	v26 =	vld.idx.msk [tilespmem:v42+s14+$0x0], $0xffff  }
0x92: {  	v27 =	vor.u32 $0xD, v27;
	v36 =	vshll.u32 v63, $0x5;
	v48 =	vsel vm7, v34, v35  }
0x93: {  	v34 =	vor.u32 $0x15, v49;
	v35 =	vor.u32 $0x14, v50;
	v36 =	vor.u32 $0x16, v36  }
0x94: {  	vm8 =	vgt.s32 v34, v35;
	v31 =	vmul.u32 $0x140, v33;
	v28 =	vshll.u32 v28, $0x5  }
0x95: {  	v33 =	vmul.u32 $0x140, v46;
	v34 =	vsel vm8, v34, v35;
	v28 =	vor.u32 $0x17, v28  }
0x96: {  	vm2 =	vgt.s32 v28, v36;
	v30 =	vmul.u32 $0x140, v30;
	v26 =	vmul.u32 $0x140, v26  }
0x97: {  	v31 =	vor.u32 $0x1A, v31;
	v33 =	vor.u32 $0x12, v33;
	v28 =	vsel vm2, v28, v36  }
0x98: {  	v36 =	vor.u32 $0x10, v51;
	v30 =	vor.u32 $0x13, v30;
	v26 =	vor.u32 $0x11, v26  }
0x99: {  	vm6 =	vgt.s32 v32, v31;
	vm9 =	vgt.s32 v30, v33;
	vm10 =	vgt.s32 v26, v36  }
0x9a: {  	v31 =	vsel vm6, v32, v31;
	v30 =	vsel vm9, v30, v33;
	v26 =	vsel vm10, v26, v36  }
0x9b: {  	vm11 =	vgt.s32 v31, v48;
	vm12 =	vgt.s32 v28, v34;
	vm2 =	vgt.s32 v30, v26  }
0x9c: {  	v31 =	vsel vm11, v31, v48;
	v28 =	vsel vm12, v28, v34;
	v26 =	vsel vm2, v30, v26  }
0x9d: {  	vm13 =	vgt.s32 v27, v29;
	vm14 =	vgt.s32 v24, v31;
	vm2 =	vgt.s32 v28, v26  }
0x9e: {  	v27 =	vsel vm13, v27, v29;
	v24 =	vsel vm14, v24, v31;
	v26 =	vsel vm2, v28, v26  }
0x9f: {  	s31 =	simm.s32 $0x200;
	vm0 =	vgt.s32 v25, v27;
	vm1 =	vgt.s32 v24, v26  }
0xa0: {  	v25 =	vsel vm0, v25, v27;
	v28 =	vor.u32 s31, v20;
	v24 =	vsel vm1, v24, v26  }
0xa1: {  	v26 =	vor.u32 s31, v21;
	vm0 =	vgt.s32 v24, v25  }
0xa2: {  	v27 =	vor.u32 s31, v22;
	v24 =	vsel vm0, v24, v25  }
0xa3: {  	s23 =	simm.s32 $0x5000;
	v29 =	vor.u32 s31, v23;
	v24 =	vandn.u32 $0x1F, v24  }
0xa4: {  	v31 =	vor.u32 s31, v6;
	[tilespmem:s23+$0x0] =	vst v24  }
0xa5: {  	v57 =	vor.u32 s31, v12;
	v25 =	vor.u32 s31, v0;
	v28 =	vld.idx.msk [tilespmem:v28+s14+$0x0], $0xffff  }
0xa6: {  	v30 =	vand.u32 v4, v25;
	v52 =	vld.idx.msk [tilespmem:v26+s14+$0x0], $0xffff  }
0xa7: {  	v24 =	vor.u32 s31, v5;
	v27 =	vld.idx.msk [tilespmem:v27+s14+$0x0], $0xffff  }
0xa8: {  	v26 =	vor.u32 s31, v7;
	v25 =	vld.idx.msk [tilespmem:v29+s14+$0x0], $0xffff  }
0xa9: {  	v58 =	vor.u32 s31, v13;
	v55 =	vld.idx.msk [tilespmem:v31+s14+$0x0], $0xffff  }
0xaa: {  	v29 =	vor.u32 s31, v9;
	v33 =	vld.idx.msk [tilespmem:v57+s14+$0x0], $0xffff  }
0xab: {  	v31 =	vor.u32 s31, v11;
	v30 =	vld.idx.msk [tilespmem:v30+s14+$0x0], $0xffff  }
0xac: {  	v53 =	vor.u32 s31, v8;
	v54 =	vld.idx.msk [tilespmem:v24+s14+$0x0], $0xffff;
	v24 =	vor.u32 s31, v10  }
0xad: {  	v59 =	vor.u32 s31, v14;
	v37 =	vor.u32 s31, v15;
	v35 =	vor.u32 s31, v16;
	v56 =	vld.idx.msk [tilespmem:v26+s14+$0x0], $0xffff  }
0xae: {  	v34 =	vor.u32 s31, v17;
	v36 =	vld.idx.msk [tilespmem:v58+s14+$0x0], $0xffff;
	v60 =	vmul.u32 $0x140, v28;
	v61 =	vmul.u32 $0x140, v52  }
0xaf: {  	v32 =	vld.idx.msk [tilespmem:v29+s14+$0x0], $0xffff;
	v28 =	vor.u32 s31, v18;
	v39 =	vmul.u32 $0x140, v27;
	v63 =	vshll.u32 v55, $0x5  }
0xb0: {  	v41 =	vor.u32 $0x1D, v63;
	v44 =	vor.u32 $0xE, v61;
	v62 =	vshll.u32 v30, $0x5;
	v30 =	vld.idx.msk [tilespmem:v31+s14+$0x0], $0xffff  }
0xb1: {  	v31 =	vor.u32 s31, v19;
	v29 =	vld.idx.msk [tilespmem:v24+s14+$0x0], $0xffff;
	v24 =	vor.u32 $0xF, v60;
	v38 =	vor.u32 $0x1F, v62  }
0xb2: {  	v26 =	vld.idx.msk [tilespmem:v53+s14+$0x0], $0xffff;
	v27 =	vshll.u32 v54, $0x5;
	vm15 =	vgt.s32 v24, v44;
	v45 =	vshll.u32 v56, $0x5  }
0xb3: {  	s24 =	simm.s32 $0x400;
	v40 =	vor.u32 $0x1E, v27;
	v27 =	vld.idx.msk [tilespmem:v59+s14+$0x0], $0xffff;
	v24 =	vsel vm15, v24, v44;
	v42 =	vor.u32 $0x1C, v45  }
.LBB2_7:
0xb4: {  	p0 =	sne.s32 s24, $0xE00;
	v37 =	vld.idx.msk [tilespmem:v37+s14+$0x0], $0xffff;
	v39 =	vor.u32 $0xD, v39;
	vm0 =	vgt.s32 v38, v40;
	vm1 =	vgt.s32 v41, v42  }
0xb5: {  	v25 =	vshll.u32 v25, $0x5;
	v35 =	vld.idx.msk [tilespmem:v35+s14+$0x0], $0xffff;
	v38 =	vsel vm0, v38, v40;
	v40 =	vsel vm1, v41, v42  }
0xb6: {  	v32 =	vmul.u32 $0x140, v32;
	v25 =	vor.u32 $0xC, v25;
	v34 =	vld.idx.msk [tilespmem:v34+s14+$0x0], $0xffff;
	vm0 =	vgt.s32 v38, v40  }
0xb7: {  	v26 =	vshll.u32 v26, $0x5;
	v29 =	vmul.u32 $0x140, v29;
	v28 =	vld.idx.msk [tilespmem:v28+s14+$0x0], $0xffff;
	v38 =	vsel vm0, v38, v40  }
0xb8: {  	v26 =	vor.u32 $0x1B, v26;
	v30 =	vmul.u32 $0x140, v30;
	v32 =	vor.u32 $0x1A, v32;
	v31 =	vld.idx.msk [tilespmem:v31+s14+$0x0], $0xffff  }
0xb9: {  	v29 =	vor.u32 $0x19, v29;
	v33 =	vshll.u32 v33, $0x5;
	v36 =	vshll.u32 v36, $0x5  }
0xba: {  	v30 =	vor.u32 $0x18, v30;
	v33 =	vor.u32 $0x17, v33;
	v36 =	vor.u32 $0x16, v36  }
0xbb: {  	vm0 =	vgt.s32 v26, v32;
	vm1 =	vgt.s32 v29, v30;
	vm2 =	vgt.s32 v33, v36  }
0xbc: {  	v26 =	vsel vm0, v26, v32;
	v29 =	vsel vm1, v29, v30;
	v30 =	vsel vm2, v33, v36  }
0xbd: {  	v27 =	vshll.u32 v27, $0x5;
	v32 =	vmul.u32 $0x140, v37;
	v33 =	vmul.u32 $0x140, v35  }
0xbe: {  	v34 =	vmul.u32 $0x140, v34;
	v28 =	vmul.u32 $0x140, v28;
	v31 =	vmul.u32 $0x140, v31  }
0xbf: {  	v27 =	vor.u32 $0x15, v27;
	v32 =	vor.u32 $0x14, v32;
	v33 =	vor.u32 $0x13, v33  }
0xc0: {  	v34 =	vor.u32 $0x12, v34;
	v28 =	vor.u32 $0x11, v28;
	v31 =	vor.u32 $0x10, v31  }
0xc1: {  	vm0 =	vgt.s32 v27, v32;
	vm1 =	vgt.s32 v33, v34;
	vm2 =	vgt.s32 v28, v31  }
0xc2: {  	v27 =	vsel vm0, v27, v32;
	v32 =	vsel vm1, v33, v34;
	v28 =	vsel vm2, v28, v31  }
0xc3: {  	vm0 =	vgt.s32 v26, v29;
	vm1 =	vgt.s32 v30, v27;
	vm2 =	vgt.s32 v32, v28  }
0xc4: {  	v26 =	vsel vm0, v26, v29;
	v27 =	vsel vm1, v30, v27;
	v28 =	vsel vm2, v32, v28  }
0xc5: {  	vm0 =	vgt.s32 v39, v25;
	vm1 =	vgt.s32 v38, v26;
	vm2 =	vgt.s32 v27, v28  }
0xc6: {  	v25 =	vsel vm0, v39, v25;
	v26 =	vsel vm1, v38, v26;
	v27 =	vsel vm2, v27, v28  }
0xc7: {  	vm0 =	vgt.s32 v24, v25;
	vm1 =	vgt.s32 v26, v27  }
0xc8: {  	v24 =	vsel vm0, v24, v25;
	v28 =	vor.u32 s24, v20;
	v25 =	vsel vm1, v26, v27  }
0xc9: {  	v26 =	vor.u32 s24, v21;
	vm0 =	vgt.s32 v25, v24  }
0xca: {  	v27 =	vor.u32 s24, v22;
	v24 =	vsel vm0, v25, v24  }
0xcb: {  	s23 =	sadd.s32 $0x10, s23;
	v29 =	vor.u32 s24, v23;
	v25 =	vor.u32 s24, v0;
	v24 =	vandn.u32 $0x1F, v24  }
0xcc: {  	v30 =	vand.u32 v4, v25;
	[tilespmem:s23+$0x0] =	vst v24  }
0xcd: {  	v24 =	vor.u32 s24, v5;
	v28 =	vld.idx.msk [tilespmem:v28+s14+$0x0], $0xffff  }
0xce: {  	v31 =	vor.u32 s24, v6;
	v32 =	vld.idx.msk [tilespmem:v26+s14+$0x0], $0xffff  }
0xcf: {  	v26 =	vor.u32 s24, v7;
	v27 =	vld.idx.msk [tilespmem:v27+s14+$0x0], $0xffff  }
0xd0: {  	v33 =	vor.u32 s24, v8;
	v25 =	vld.idx.msk [tilespmem:v29+s14+$0x0], $0xffff  }
0xd1: {  	v29 =	vor.u32 s24, v9;
	v30 =	vld.idx.msk [tilespmem:v30+s14+$0x0], $0xffff  }
0xd2: {  	v36 =	vld.idx.msk [tilespmem:v24+s14+$0x0], $0xffff;
	v24 =	vor.u32 s24, v10  }
0xd3: {  	v40 =	vld.idx.msk [tilespmem:v31+s14+$0x0], $0xffff;
	v31 =	vor.u32 s24, v11  }
0xd4: {  	v42 =	vor.u32 s24, v13;
	v39 =	vor.u32 s24, v12;
	v41 =	vld.idx.msk [tilespmem:v26+s14+$0x0], $0xffff  }
0xd5: {  	v43 =	vor.u32 s24, v14;
	v38 =	vmul.u32 $0x140, v32;
	v26 =	vld.idx.msk [tilespmem:v33+s14+$0x0], $0xffff;
	v33 =	vmul.u32 $0x140, v28  }
0xd6: {  	v37 =	vor.u32 s24, v15;
	v35 =	vor.u32 s24, v16;
	v34 =	vor.u32 s24, v17;
	v32 =	vld.idx.msk [tilespmem:v29+s14+$0x0], $0xffff  }
.Ltmp2:
0xd7: {  	v28 =	vor.u32 s24, v18;
	v44 =	vor.u32 $0xE, v38;
	v29 =	vld.idx.msk [tilespmem:v24+s14+$0x0], $0xffff;
	v24 =	vor.u32 $0xF, v33;
	(pc) =	sbr.rel @p0 .LBB2_7-.Ltmp2, $4  }
0xd8: {  	v33 =	vshll.u32 v30, $0x5;
	v30 =	vld.idx.msk [tilespmem:v31+s14+$0x0], $0xffff;
	v31 =	vor.u32 s24, v19;
	vm0 =	vgt.s32 v24, v44  }
0xd9: {  	v38 =	vor.u32 $0x1F, v33;
	v33 =	vld.idx.msk [tilespmem:v39+s14+$0x0], $0xffff;
	v39 =	vmul.u32 $0x140, v27;
	v24 =	vsel vm0, v24, v44  }
0xda: {  	v27 =	vshll.u32 v36, $0x5;
	v44 =	vshll.u32 v40, $0x5;
	v45 =	vshll.u32 v41, $0x5;
	v36 =	vld.idx.msk [tilespmem:v42+s14+$0x0], $0xffff  }
0xdb: {  	s24 =	sadd.s32 $0x200, s24;
	v40 =	vor.u32 $0x1E, v27;
	v41 =	vor.u32 $0x1D, v44;
	v42 =	vor.u32 $0x1C, v45;
	v27 =	vld.idx.msk [tilespmem:v43+s14+$0x0], $0xffff  }
0xdc: {  	_ =	sdelay $0x2  }
0xdd: {  	v39 =	vor.u32 $0xD, v39;
	vm0 =	vgt.s32 v38, v40;
	vm1 =	vgt.s32 v41, v42  }
0xde: {  	v37 =	vld.idx.msk [tilespmem:v37+s14+$0x0], $0xffff;
	v25 =	vshll.u32 v25, $0x5;
	v32 =	vmul.u32 $0x140, v32;
	v26 =	vshll.u32 v26, $0x5  }
0xdf: {  	v35 =	vld.idx.msk [tilespmem:v35+s14+$0x0], $0xffff;
	v29 =	vmul.u32 $0x140, v29;
	v38 =	vsel vm0, v38, v40;
	v58 =	vsel vm1, v41, v42  }
0xe0: {  	v34 =	vld.idx.msk [tilespmem:v34+s14+$0x0], $0xffff;
	v25 =	vor.u32 $0xC, v25;
	v26 =	vor.u32 $0x1B, v26;
	v30 =	vmul.u32 $0x140, v30  }
0xe1: {  	v28 =	vld.idx.msk [tilespmem:v28+s14+$0x0], $0xffff;
	vm0 =	vgt.s32 v38, v58;
	v32 =	vor.u32 $0x1A, v32;
	v29 =	vor.u32 $0x19, v29  }
0xe2: {  	v31 =	vld.idx.msk [tilespmem:v31+s14+$0x0], $0xffff;
	v33 =	vshll.u32 v33, $0x5;
	v38 =	vsel vm0, v38, v58;
	v36 =	vshll.u32 v36, $0x5  }
0xe3: {  	v30 =	vor.u32 $0x18, v30;
	v33 =	vor.u32 $0x17, v33;
	vm7 =	vgt.s32 v26, v32  }
0xe4: {  	v36 =	vor.u32 $0x16, v36;
	vm8 =	vgt.s32 v29, v30;
	v26 =	vsel vm7, v26, v32  }
0xe5: {  	v27 =	vshll.u32 v27, $0x5;
	vm2 =	vgt.s32 v33, v36;
	v29 =	vsel vm8, v29, v30  }
0xe6: {  	v60 =	vmul.u32 $0x140, v37;
	v61 =	vmul.u32 $0x140, v35;
	v34 =	vmul.u32 $0x140, v34  }
0xe7: {  	v28 =	vmul.u32 $0x140, v28;
	v31 =	vmul.u32 $0x140, v31;
	v27 =	vor.u32 $0x15, v27  }
0xe8: {  	v59 =	vsel vm2, v33, v36;
	v32 =	vor.u32 $0x14, v60;
	v33 =	vor.u32 $0x13, v61  }
0xe9: {  	v34 =	vor.u32 $0x12, v34;
	v28 =	vor.u32 $0x11, v28;
	v31 =	vor.u32 $0x10, v31  }
0xea: {  	vm9 =	vgt.s32 v27, v32;
	vm10 =	vgt.s32 v33, v34;
	vm11 =	vgt.s32 v28, v31  }
0xeb: {  	v27 =	vsel vm9, v27, v32;
	v62 =	vsel vm10, v33, v34;
	v28 =	vsel vm11, v28, v31  }
0xec: {  	vm12 =	vgt.s32 v26, v29;
	vm13 =	vgt.s32 v59, v27;
	vm2 =	vgt.s32 v62, v28  }
0xed: {  	v26 =	vsel vm12, v26, v29;
	v27 =	vsel vm13, v59, v27;
	v28 =	vsel vm2, v62, v28  }
0xee: {  	vm14 =	vgt.s32 v39, v25;
	vm15 =	vgt.s32 v38, v26;
	vm2 =	vgt.s32 v27, v28  }
0xef: {  	v25 =	vsel vm14, v39, v25;
	v26 =	vsel vm15, v38, v26;
	v27 =	vsel vm2, v27, v28  }
0xf0: {  	vm0 =	vgt.s32 v24, v25;
	vm1 =	vgt.s32 v26, v27  }
0xf1: {  	s0 =	sadd.s32 s6, s22;
	v24 =	vsel vm0, v24, v25;
	v63 =	vsel vm1, v26, v27  }
0xf2: {  	s3 =	sshll.u32 s19, $0x5;
	s0 =	sshll.u32 s0, $0x4;
	vm0 =	vgt.s32 v63, v24  }
0xf3: {  	s3 =	sand.u32 $0x60, s3;
	s0 =	sand.u32 $0x380, s0;
	v24 =	vsel vm0, v63, v24  }
0xf4: {  	s23 =	sadd.s32 $0x10, s23;
	s3 =	sadd.s32 s2, s3;
	s0 =	sor.u32 s0, s8;
	v24 =	vandn.u32 $0x1F, v24  }
0xf5: {  	p0 =	seq.s32 s19, $0x7;
	s0 =	sadd.s32 s0, s3;
	[tilespmem:s23+$0x0] =	vst v24  }
0xf6: {  	[hbm4b:s0+s4] =	stream.linear.scatter [tilespmem:s15], [sflag:$0x3], $0x80, $0x38;
	[tilespmem:$0x5080] =	vst v63  }
0xf7: {  	s0 =	sadd.s32 @!p0 s22, s9;
	_ =	swait.ge [sflag:s16], $0x80  }
0xf8: {  	s0 =	sshll.u32 @!p0 s0, $0xA;
	[sflag:s16] =	ssyncset.done $0x0  }
0xf9: {  	s3 =	simm.s32 @!p0 $0x0;
	s0 =	sadd.s32 @!p0 s1, s0;
	[sflag:s16] =	ssyncadd.s32 $0xFFFFFF80  }
0xfa: {  	[tilespmem:s3], [sflag:$0x1] =	stream.linear.gather @!p0 [hbm4b:s0+s3], $0x2000, $0x38;
	[tilespmem:$0x5080] =	vst v63  }
0xfb: {  	_ =	swait.ge [sflag:s17], $0x2000  }
0xfc: {  	s24 =	simm.s32 $0x400;
	[sflag:s17] =	ssyncset.done $0x0  }
0xfd: {  	s23 =	simm.s32 $0x0;
	s22 =	simm.s32 $0x0;
	[sflag:s17] =	ssyncadd.s32 $0xFFFFE000  }
.LBB2_9:
0xfe: {  	p0 =	sne.s32 s24, $0x3C00;
	[tilespmem:s23+$0x40F0] =	vst v1  }
0xff: {  	[tilespmem:s23+$0x4000] =	vst v1  }
0x100: {  	[tilespmem:s23+$0x4010] =	vst v1  }
0x101: {  	[tilespmem:s23+$0x4020] =	vst v1  }
0x102: {  	[tilespmem:s23+$0x4030] =	vst v1  }
0x103: {  	[tilespmem:s23+$0x4040] =	vst v1  }
0x104: {  	[tilespmem:s23+$0x4050] =	vst v1  }
0x105: {  	[tilespmem:s23+$0x4060] =	vst v1  }
0x106: {  	[tilespmem:s23+$0x4070] =	vst v1  }
0x107: {  	[tilespmem:s23+$0x4080] =	vst v1  }
0x108: {  	[tilespmem:s23+$0x4090] =	vst v1  }
.Ltmp3:
0x109: {  	[tilespmem:s23+$0x40A0] =	vst v1;
	(pc) =	sbr.rel @p0 .LBB2_9-.Ltmp3, $4  }
0x10a: {  	[tilespmem:s23+$0x40B0] =	vst v1  }
0x10b: {  	[tilespmem:s23+$0x40C0] =	vst v1  }
0x10c: {  	[tilespmem:s23+$0x40D0] =	vst v1  }
0x10d: {  	[tilespmem:s23+$0x40E0] =	vst v1;
	s23 =	sshra.s32 s24, $0x2;
	s24 =	sadd.s32 $0x400, s24  }
0x10e: {  	[tilespmem:s23+$0x40F0] =	vst v1  }
0x10f: {  	[tilespmem:s23+$0x4000] =	vst v1  }
0x110: {  	[tilespmem:s23+$0x4010] =	vst v1  }
0x111: {  	[tilespmem:s23+$0x4020] =	vst v1  }
0x112: {  	[tilespmem:s23+$0x4030] =	vst v1  }
0x113: {  	[tilespmem:s23+$0x4040] =	vst v1  }
0x114: {  	[tilespmem:s23+$0x4050] =	vst v1  }
0x115: {  	[tilespmem:s23+$0x4060] =	vst v1  }
0x116: {  	[tilespmem:s23+$0x4070] =	vst v1  }
0x117: {  	[tilespmem:s23+$0x4080] =	vst v1  }
0x118: {  	[tilespmem:s23+$0x4090] =	vst v1  }
0x119: {  	[tilespmem:s23+$0x40A0] =	vst v1  }
0x11a: {  	[tilespmem:s23+$0x40B0] =	vst v1  }
0x11b: {  	[tilespmem:s23+$0x40C0] =	vst v1;
	s0 =	simm.s32 $0x0  }
0x11c: {  	[tilespmem:s23+$0x40D0] =	vst v1;
	s3 =	sand.u32 $0x1C00, s22;
	s24 =	sor.u32 s22, s0  }
0x11d: {  	[tilespmem:s23+$0x40E0] =	vst v1;
	s0 =	sand.u32 $0x60, s0;
	s3 =	sor.u32 $0x2000, s3;
	s31 =	sor.u32 $0x380, s24  }
0x11e: {  	s0 =	sor.u32 s0, s3;
	v24 =	vld [tilespmem:s31+$0x2000]  }
0x11f: {  	v25 =	vld [tilespmem:s0+$0x280]  }
0x120: {  	v26 =	vld [tilespmem:s0+$0x200]  }
0x121: {  	v27 =	vld [tilespmem:s0+$0x180]  }
0x122: {  	s25 =	simm.s32 $0x10;
	s24 =	sand.u32 $0x7, s22;
	v28 =	vld [tilespmem:s0+$0x100]  }
0x123: {  	s23 =	sshll.u32 s24, $0x4;
	v29 =	vld [tilespmem:s0+$0x80];
	s24 =	sand.u32 $0x70, s25  }
0x124: {  	v30 =	vld [tilespmem:s0+$0x0];
	s3 =	sor.u32 s24, s3  }
0x125: {  	v32 =	vld [tilespmem:s3+$0x80]  }
0x126: {  	s29 =	sand.u32 $0x3, s22;
	v33 =	vld [tilespmem:s3+$0x0]  }
0x127: {  	s0 =	sshll.u32 s29, $0x5;
	v35 =	vld [tilespmem:s3+$0x100]  }
0x128: {  	v34 =	vor.u32 s22, v2;
	s0 =	sadd.s32 $0x0, s0;
	v36 =	vld [tilespmem:s3+$0x180]  }
0x129: {  	s23 =	sadd.s32 $0x0, s23;
	s0 =	sor.u32 $0x300, s0;
	v38 =	vld [tilespmem:s3+$0x280];
	v30 =	vadd.s32 v34, v30  }
0x12a: {  	s23 =	sadd.s32 $0x10, s23;
	v37 =	vld [tilespmem:s0+$0x2000];
	v29 =	vadd.s32 v34, v29  }
0x12b: {  	v39 =	vld [tilespmem:s3+$0x200];
	s26 =	sor.u32 $0x300, s23;
	v28 =	vadd.s32 v34, v28  }
0x12c: {  	s30 =	sor.u32 $0x380, s23;
	v31 =	vld [tilespmem:s26+$0x2000];
	v27 =	vadd.s32 v34, v27  }
0x12d: {  	v40 =	vld [tilespmem:s30+$0x2000];
	v26 =	vadd.s32 v34, v26  }
0x12e: {  	v25 =	vadd.s32 v34, v25;
	[tilespmem:v30+s14+$0x0] =	vst.idx.add.s32.msk $0xffff, v3  }
0x12f: {  	s31 =	simm.s32 $0x40;
	v30 =	vadd.s32 v34, v37;
	[tilespmem:v29+s14+$0x0] =	vst.idx.add.s32.msk $0xffff, v3  }
0x130: {  	v24 =	vadd.s32 v34, v24;
	v29 =	vor.u32 s31, v2;
	[tilespmem:v28+s14+$0x0] =	vst.idx.add.s32.msk $0xffff, v3  }
0x131: {  	v28 =	vadd.s32 v29, v33;
	[tilespmem:v27+s14+$0x0] =	vst.idx.add.s32.msk $0xffff, v3  }
0x132: {  	v27 =	vadd.s32 v29, v32;
	[tilespmem:v26+s14+$0x0] =	vst.idx.add.s32.msk $0xffff, v3  }
0x133: {  	v63 =	vadd.s32 v29, v35;
	[tilespmem:v25+s14+$0x0] =	vst.idx.add.s32.msk $0xffff, v3  }
0x134: {  	[tilespmem:v30+s14+$0x0] =	vst.idx.add.s32.msk $0xffff, v3  }
0x135: {  	[tilespmem:v24+s14+$0x0] =	vst.idx.add.s32.msk $0xffff, v3;
	v24 =	vadd.s32 v29, v36  }
0x136: {  	[tilespmem:v28+s14+$0x0] =	vst.idx.add.s32.msk $0xffff, v3;
	v28 =	vadd.s32 v29, v39  }
0x137: {  	s28 =	simm.s32 $0x30;
	s22 =	simm.s32 $0x2;
	v25 =	vadd.s32 v29, v38;
	[tilespmem:v27+s14+$0x0] =	vst.idx.add.s32.msk $0xffff, v3  }
0x138: {  	s25 =	simm.s32 $0x1;
	s24 =	simm.s32 $0x100;
	s23 =	simm.s32 $0x80;
	v26 =	vadd.s32 v29, v31;
	v27 =	vadd.s32 v29, v40;
	[tilespmem:v63+s14+$0x0] =	vst.idx.add.s32.msk $0xffff, v3  }
.LBB2_11:
0x139: {  	s0 =	sadd.s32 $0xFFFFFFF0, s28  }
0x13a: {  	s3 =	sand.u32 $0x1C00, s24;
	[tilespmem:v24+s14+$0x0] =	vst.idx.add.s32.msk $0xffff, v3;
	s29 =	smov.u32 s28;
	s26 =	sadd.s32 $0x20, s28  }
0x13b: {  	s30 =	sand.u32 $0x60, s0;
	s3 =	sor.u32 $0x2000, s3;
	s29 =	sand.u32 $0x70, s29;
	[tilespmem:v28+s14+$0x0] =	vst.idx.add.s32.msk $0xffff, v3  }
0x13c: {  	s0 =	sor.u32 s24, s0;
	s30 =	sor.u32 s30, s3;
	s3 =	sor.u32 s29, s3;
	[tilespmem:v25+s14+$0x0] =	vst.idx.add.s32.msk $0xffff, v3  }
0x13d: {  	p0 =	sne.s32 s28, $0x3F0;
	s0 =	sor.u32 $0x380, s0;
	[tilespmem:v26+s14+$0x0] =	vst.idx.add.s32.msk $0xffff, v3  }
0x13e: {  	[tilespmem:v27+s14+$0x0] =	vst.idx.add.s32.msk $0xffff, v3  }
0x13f: {  	s28 =	sand.u32 $0x3, s25;
	v24 =	vld [tilespmem:s0+$0x2000]  }
0x140: {  	s0 =	sshll.u32 s28, $0x5;
	s28 =	sand.u32 $0x7, s22;
	v25 =	vld [tilespmem:s30+$0x280]  }
0x141: {  	s28 =	sshll.u32 s28, $0x4;
	s0 =	sadd.s32 s0, s24;
	v26 =	vld [tilespmem:s30+$0x200]  }
0x142: {  	s28 =	sadd.s32 s24, s28;
	s0 =	sor.u32 $0x300, s0;
	v27 =	vld [tilespmem:s30+$0x180]  }
0x143: {  	s28 =	sadd.s32 $0x10, s28;
	v28 =	vld [tilespmem:s30+$0x100]  }
0x144: {  	s29 =	sor.u32 $0x380, s28;
	v29 =	vld [tilespmem:s30+$0x80]  }
0x145: {  	v30 =	vor.u32 s23, v2;
	s28 =	sor.u32 $0x300, s28;
	v31 =	vld [tilespmem:s30+$0x0]  }
0x146: {  	v26 =	vadd.s32 v30, v26;
	v32 =	vld [tilespmem:s28+$0x2000]  }
0x147: {  	v25 =	vadd.s32 v30, v25;
	v33 =	vld [tilespmem:s3+$0x80]  }
0x148: {  	v28 =	vadd.s32 v30, v28;
	v34 =	vld [tilespmem:s3+$0x0]  }
0x149: {  	v35 =	vadd.s32 v30, v24;
	v24 =	vld [tilespmem:s3+$0x100]  }
0x14a: {  	v31 =	vadd.s32 v30, v31;
	v36 =	vld [tilespmem:s3+$0x180]  }
0x14b: {  	v29 =	vadd.s32 v30, v29;
	v37 =	vld [tilespmem:s0+$0x2000];
	s0 =	sadd.s32 $0x40, s23  }
0x14c: {  	v38 =	vor.u32 s0, v2;
	v39 =	vld [tilespmem:s3+$0x280]  }
0x14d: {  	v27 =	vadd.s32 v30, v27;
	v34 =	vadd.s32 v38, v34;
	v33 =	vadd.s32 v38, v33;
	v40 =	vld [tilespmem:s3+$0x200]  }
0x14e: {  	v41 =	vld [tilespmem:s29+$0x2000]  }
0x14f: {  	v42 =	vadd.s32 v38, v24;
	[tilespmem:v31+s14+$0x0] =	vst.idx.add.s32.msk $0xffff, v3  }
0x150: {  	v30 =	vadd.s32 v30, v37;
	[tilespmem:v29+s14+$0x0] =	vst.idx.add.s32.msk $0xffff, v3  }
0x151: {  	v24 =	vadd.s32 v38, v36;
	[tilespmem:v28+s14+$0x0] =	vst.idx.add.s32.msk $0xffff, v3  }
0x152: {  	[tilespmem:v27+s14+$0x0] =	vst.idx.add.s32.msk $0xffff, v3  }
0x153: {  	[tilespmem:v26+s14+$0x0] =	vst.idx.add.s32.msk $0xffff, v3  }
0x154: {  	[tilespmem:v25+s14+$0x0] =	vst.idx.add.s32.msk $0xffff, v3  }
.Ltmp4:
0x155: {  	[tilespmem:v30+s14+$0x0] =	vst.idx.add.s32.msk $0xffff, v3;
	(pc) =	sbr.rel @p0 .LBB2_11-.Ltmp4, $4  }
0x156: {  	v28 =	vadd.s32 v38, v40;
	[tilespmem:v35+s14+$0x0] =	vst.idx.add.s32.msk $0xffff, v3  }
0x157: {  	v25 =	vadd.s32 v38, v39;
	[tilespmem:v34+s14+$0x0] =	vst.idx.add.s32.msk $0xffff, v3  }
0x158: {  	s25 =	sadd.s32 $0x1, s25;
	s22 =	sadd.s32 $0x2, s22;
	v26 =	vadd.s32 v38, v32;
	[tilespmem:v33+s14+$0x0] =	vst.idx.add.s32.msk $0xffff, v3  }
0x159: {  	s24 =	sadd.s32 $0x100, s24;
	s28 =	smov.u32 s26;
	s23 =	sadd.s32 $0x80, s23;
	v27 =	vadd.s32 v38, v41;
	[tilespmem:v42+s14+$0x0] =	vst.idx.add.s32.msk $0xffff, v3  }
0x15a: {  	_ =	sdelay $0x2  }
0x15b: {  	s0 =	simm.s32 $0x0  }
0x15c: {  	[tilespmem:v24+s14+$0x0] =	vst.idx.add.s32.msk $0xffff, v3;
	v24 =	vor.u32 s0, v20  }
0x15d: {  	[tilespmem:v28+s14+$0x0] =	vst.idx.add.s32.msk $0xffff, v3;
	v28 =	vor.u32 s0, v21  }
0x15e: {  	v29 =	vor.u32 s0, v23;
	[tilespmem:v25+s14+$0x0] =	vst.idx.add.s32.msk $0xffff, v3  }
0x15f: {  	v30 =	vor.u32 s0, v6;
	[tilespmem:v26+s14+$0x0] =	vst.idx.add.s32.msk $0xffff, v3  }
0x160: {  	v31 =	vor.u32 s0, v7;
	[tilespmem:v27+s14+$0x0] =	vst.idx.add.s32.msk $0xffff, v3  }
0x161: {  	v32 =	vor.u32 s0, v8;
	v24 =	vld.idx.msk [tilespmem:v24+s14+$0x0], $0xffff  }
0x162: {  	v34 =	vor.u32 s0, v10;
	v28 =	vld.idx.msk [tilespmem:v28+s14+$0x0], $0xffff  }
0x163: {  	v35 =	vor.u32 s0, v11;
	v29 =	vld.idx.msk [tilespmem:v29+s14+$0x0], $0xffff  }
0x164: {  	v38 =	vor.u32 s0, v14;
	v30 =	vld.idx.msk [tilespmem:v30+s14+$0x0], $0xffff  }
0x165: {  	v39 =	vor.u32 s0, v15;
	v31 =	vld.idx.msk [tilespmem:v31+s14+$0x0], $0xffff  }
0x166: {  	v43 =	vor.u32 s0, v19;
	v32 =	vld.idx.msk [tilespmem:v32+s14+$0x0], $0xffff  }
0x167: {  	v25 =	vor.u32 s0, v22;
	v26 =	vor.u32 s0, v0;
	v34 =	vld.idx.msk [tilespmem:v34+s14+$0x0], $0xffff  }
0x168: {  	v26 =	vand.u32 v4, v26;
	v35 =	vld.idx.msk [tilespmem:v35+s14+$0x0], $0xffff  }
0x169: {  	v27 =	vor.u32 s0, v5;
	v44 =	vld.idx.msk [tilespmem:v38+s14+$0x0], $0xffff  }
0x16a: {  	v45 =	vld.idx.msk [tilespmem:v39+s14+$0x0], $0xffff  }
0x16b: {  	v47 =	vld.idx.msk [tilespmem:v43+s14+$0x0], $0xffff  }
0x16c: {  	v33 =	vor.u32 s0, v9;
	v36 =	vor.u32 s0, v12;
	v37 =	vor.u32 s0, v13;
	v25 =	vld.idx.msk [tilespmem:v25+s14+$0x0], $0xffff  }
0x16d: {  	v40 =	vor.u32 s0, v16;
	v41 =	vor.u32 s0, v17;
	v42 =	vor.u32 s0, v18;
	v26 =	vld.idx.msk [tilespmem:v26+s14+$0x0], $0xffff  }
0x16e: {  	v27 =	vld.idx.msk [tilespmem:v27+s14+$0x0], $0xffff;
	v24 =	vmul.u32 $0x140, v24;
	v28 =	vmul.u32 $0x140, v28;
	v30 =	vshll.u32 v30, $0x5  }
0x16f: {  	v31 =	vshll.u32 v31, $0x5;
	v29 =	vshll.u32 v29, $0x5;
	v32 =	vshll.u32 v32, $0x5  }
0x170: {  	v34 =	vmul.u32 $0x140, v34;
	v35 =	vmul.u32 $0x140, v35;
	v49 =	vshll.u32 v44, $0x5  }
0x171: {  	v50 =	vmul.u32 $0x140, v45;
	v51 =	vmul.u32 $0x140, v47;
	v25 =	vmul.u32 $0x140, v25  }
0x172: {  	v30 =	vor.u32 $0x1D, v30;
	v31 =	vor.u32 $0x1C, v31;
	v29 =	vor.u32 $0xC, v29  }
0x173: {  	v33 =	vld.idx.msk [tilespmem:v33+s14+$0x0], $0xffff;
	v24 =	vor.u32 $0xF, v24;
	v26 =	vshll.u32 v26, $0x5;
	v27 =	vshll.u32 v27, $0x5  }
0x174: {  	v63 =	vld.idx.msk [tilespmem:v37+s14+$0x0], $0xffff;
	v28 =	vor.u32 $0xE, v28;
	v26 =	vor.u32 $0x1F, v26;
	v27 =	vor.u32 $0x1E, v27  }
0x175: {  	v46 =	vld.idx.msk [tilespmem:v41+s14+$0x0], $0xffff;
	vm1 =	vgt.s32 v30, v31;
	vm0 =	vgt.s32 v24, v28;
	vm5 =	vgt.s32 v26, v27  }
0x176: {  	v24 =	vsel vm0, v24, v28;
	v28 =	vld.idx.msk [tilespmem:v36+s14+$0x0], $0xffff;
	v26 =	vsel vm5, v26, v27;
	v27 =	vsel vm1, v30, v31  }
0x177: {  	v34 =	vor.u32 $0x19, v34;
	v35 =	vor.u32 $0x18, v35;
	v30 =	vld.idx.msk [tilespmem:v40+s14+$0x0], $0xffff;
	vm0 =	vgt.s32 v26, v27  }
0x178: {  	v32 =	vor.u32 $0x1B, v32;
	vm7 =	vgt.s32 v34, v35;
	v26 =	vsel vm0, v26, v27;
	v27 =	vld.idx.msk [tilespmem:v42+s14+$0x0], $0xffff  }
0x179: {  	v25 =	vor.u32 $0xD, v25;
	v36 =	vshll.u32 v63, $0x5;
	v48 =	vsel vm7, v34, v35  }
0x17a: {  	v34 =	vor.u32 $0x15, v49;
	v35 =	vor.u32 $0x14, v50;
	v36 =	vor.u32 $0x16, v36  }
0x17b: {  	vm8 =	vgt.s32 v34, v35;
	v31 =	vmul.u32 $0x140, v33;
	v28 =	vshll.u32 v28, $0x5  }
0x17c: {  	v33 =	vmul.u32 $0x140, v46;
	v34 =	vsel vm8, v34, v35;
	v28 =	vor.u32 $0x17, v28  }
0x17d: {  	vm2 =	vgt.s32 v28, v36;
	v30 =	vmul.u32 $0x140, v30;
	v27 =	vmul.u32 $0x140, v27  }
0x17e: {  	v31 =	vor.u32 $0x1A, v31;
	v33 =	vor.u32 $0x12, v33;
	v28 =	vsel vm2, v28, v36  }
0x17f: {  	v36 =	vor.u32 $0x10, v51;
	v30 =	vor.u32 $0x13, v30;
	v27 =	vor.u32 $0x11, v27  }
0x180: {  	vm6 =	vgt.s32 v32, v31;
	vm9 =	vgt.s32 v30, v33;
	vm10 =	vgt.s32 v27, v36  }
0x181: {  	v31 =	vsel vm6, v32, v31;
	v30 =	vsel vm9, v30, v33;
	v27 =	vsel vm10, v27, v36  }
0x182: {  	vm11 =	vgt.s32 v31, v48;
	vm12 =	vgt.s32 v28, v34;
	vm2 =	vgt.s32 v30, v27  }
0x183: {  	v31 =	vsel vm11, v31, v48;
	v28 =	vsel vm12, v28, v34;
	v27 =	vsel vm2, v30, v27  }
0x184: {  	vm13 =	vgt.s32 v25, v29;
	vm14 =	vgt.s32 v26, v31;
	vm2 =	vgt.s32 v28, v27  }
0x185: {  	v25 =	vsel vm13, v25, v29;
	v26 =	vsel vm14, v26, v31;
	v27 =	vsel vm2, v28, v27  }
0x186: {  	s31 =	simm.s32 $0x200;
	vm0 =	vgt.s32 v24, v25;
	vm1 =	vgt.s32 v26, v27  }
0x187: {  	v24 =	vsel vm0, v24, v25;
	v28 =	vor.u32 s31, v20;
	v25 =	vsel vm1, v26, v27  }
0x188: {  	v26 =	vor.u32 s31, v21;
	vm0 =	vgt.s32 v25, v24  }
0x189: {  	v27 =	vor.u32 s31, v22;
	v24 =	vsel vm0, v25, v24  }
0x18a: {  	s22 =	simm.s32 $0x5000;
	v29 =	vor.u32 s31, v23;
	v24 =	vandn.u32 $0x1F, v24  }
0x18b: {  	v31 =	vor.u32 s31, v6;
	[tilespmem:s22+$0x0] =	vst v24  }
0x18c: {  	v57 =	vor.u32 s31, v12;
	v25 =	vor.u32 s31, v0;
	v28 =	vld.idx.msk [tilespmem:v28+s14+$0x0], $0xffff  }
0x18d: {  	v30 =	vand.u32 v4, v25;
	v52 =	vld.idx.msk [tilespmem:v26+s14+$0x0], $0xffff  }
0x18e: {  	v24 =	vor.u32 s31, v5;
	v27 =	vld.idx.msk [tilespmem:v27+s14+$0x0], $0xffff  }
0x18f: {  	v26 =	vor.u32 s31, v7;
	v25 =	vld.idx.msk [tilespmem:v29+s14+$0x0], $0xffff  }
0x190: {  	v58 =	vor.u32 s31, v13;
	v55 =	vld.idx.msk [tilespmem:v31+s14+$0x0], $0xffff  }
0x191: {  	v29 =	vor.u32 s31, v9;
	v33 =	vld.idx.msk [tilespmem:v57+s14+$0x0], $0xffff  }
0x192: {  	v31 =	vor.u32 s31, v11;
	v30 =	vld.idx.msk [tilespmem:v30+s14+$0x0], $0xffff  }
0x193: {  	v53 =	vor.u32 s31, v8;
	v54 =	vld.idx.msk [tilespmem:v24+s14+$0x0], $0xffff;
	v24 =	vor.u32 s31, v10  }
0x194: {  	v59 =	vor.u32 s31, v14;
	v37 =	vor.u32 s31, v15;
	v35 =	vor.u32 s31, v16;
	v56 =	vld.idx.msk [tilespmem:v26+s14+$0x0], $0xffff  }
0x195: {  	v34 =	vor.u32 s31, v17;
	v36 =	vld.idx.msk [tilespmem:v58+s14+$0x0], $0xffff;
	v60 =	vmul.u32 $0x140, v28;
	v61 =	vmul.u32 $0x140, v52  }
0x196: {  	v32 =	vld.idx.msk [tilespmem:v29+s14+$0x0], $0xffff;
	v28 =	vor.u32 s31, v18;
	v39 =	vmul.u32 $0x140, v27;
	v63 =	vshll.u32 v55, $0x5  }
0x197: {  	v41 =	vor.u32 $0x1D, v63;
	v44 =	vor.u32 $0xE, v61;
	v62 =	vshll.u32 v30, $0x5;
	v30 =	vld.idx.msk [tilespmem:v31+s14+$0x0], $0xffff  }
0x198: {  	v31 =	vor.u32 s31, v19;
	v29 =	vld.idx.msk [tilespmem:v24+s14+$0x0], $0xffff;
	v24 =	vor.u32 $0xF, v60;
	v38 =	vor.u32 $0x1F, v62  }
0x199: {  	v26 =	vld.idx.msk [tilespmem:v53+s14+$0x0], $0xffff;
	v27 =	vshll.u32 v54, $0x5;
	vm15 =	vgt.s32 v24, v44;
	v45 =	vshll.u32 v56, $0x5  }
0x19a: {  	s23 =	simm.s32 $0x400;
	v40 =	vor.u32 $0x1E, v27;
	v27 =	vld.idx.msk [tilespmem:v59+s14+$0x0], $0xffff;
	v24 =	vsel vm15, v24, v44;
	v42 =	vor.u32 $0x1C, v45  }
.LBB2_13:
0x19b: {  	p0 =	sne.s32 s23, $0xE00;
	v37 =	vld.idx.msk [tilespmem:v37+s14+$0x0], $0xffff;
	v39 =	vor.u32 $0xD, v39;
	vm0 =	vgt.s32 v38, v40;
	vm1 =	vgt.s32 v41, v42  }
0x19c: {  	v25 =	vshll.u32 v25, $0x5;
	v35 =	vld.idx.msk [tilespmem:v35+s14+$0x0], $0xffff;
	v38 =	vsel vm0, v38, v40;
	v40 =	vsel vm1, v41, v42  }
0x19d: {  	v32 =	vmul.u32 $0x140, v32;
	v25 =	vor.u32 $0xC, v25;
	v34 =	vld.idx.msk [tilespmem:v34+s14+$0x0], $0xffff;
	vm0 =	vgt.s32 v38, v40  }
0x19e: {  	v26 =	vshll.u32 v26, $0x5;
	v29 =	vmul.u32 $0x140, v29;
	v28 =	vld.idx.msk [tilespmem:v28+s14+$0x0], $0xffff;
	v38 =	vsel vm0, v38, v40  }
0x19f: {  	v26 =	vor.u32 $0x1B, v26;
	v30 =	vmul.u32 $0x140, v30;
	v32 =	vor.u32 $0x1A, v32;
	v31 =	vld.idx.msk [tilespmem:v31+s14+$0x0], $0xffff  }
0x1a0: {  	v29 =	vor.u32 $0x19, v29;
	v33 =	vshll.u32 v33, $0x5;
	v36 =	vshll.u32 v36, $0x5  }
0x1a1: {  	v30 =	vor.u32 $0x18, v30;
	v33 =	vor.u32 $0x17, v33;
	v36 =	vor.u32 $0x16, v36  }
0x1a2: {  	vm0 =	vgt.s32 v26, v32;
	vm1 =	vgt.s32 v29, v30;
	vm2 =	vgt.s32 v33, v36  }
0x1a3: {  	v26 =	vsel vm0, v26, v32;
	v29 =	vsel vm1, v29, v30;
	v30 =	vsel vm2, v33, v36  }
0x1a4: {  	v27 =	vshll.u32 v27, $0x5;
	v32 =	vmul.u32 $0x140, v37;
	v33 =	vmul.u32 $0x140, v35  }
0x1a5: {  	v34 =	vmul.u32 $0x140, v34;
	v28 =	vmul.u32 $0x140, v28;
	v31 =	vmul.u32 $0x140, v31  }
0x1a6: {  	v27 =	vor.u32 $0x15, v27;
	v32 =	vor.u32 $0x14, v32;
	v33 =	vor.u32 $0x13, v33  }
0x1a7: {  	v34 =	vor.u32 $0x12, v34;
	v28 =	vor.u32 $0x11, v28;
	v31 =	vor.u32 $0x10, v31  }
0x1a8: {  	vm0 =	vgt.s32 v27, v32;
	vm1 =	vgt.s32 v33, v34;
	vm2 =	vgt.s32 v28, v31  }
0x1a9: {  	v27 =	vsel vm0, v27, v32;
	v32 =	vsel vm1, v33, v34;
	v28 =	vsel vm2, v28, v31  }
0x1aa: {  	vm0 =	vgt.s32 v26, v29;
	vm1 =	vgt.s32 v30, v27;
	vm2 =	vgt.s32 v32, v28  }
0x1ab: {  	v26 =	vsel vm0, v26, v29;
	v27 =	vsel vm1, v30, v27;
	v28 =	vsel vm2, v32, v28  }
0x1ac: {  	vm0 =	vgt.s32 v39, v25;
	vm1 =	vgt.s32 v38, v26;
	vm2 =	vgt.s32 v27, v28  }
0x1ad: {  	v25 =	vsel vm0, v39, v25;
	v26 =	vsel vm1, v38, v26;
	v27 =	vsel vm2, v27, v28  }
0x1ae: {  	vm0 =	vgt.s32 v24, v25;
	vm1 =	vgt.s32 v26, v27  }
0x1af: {  	v24 =	vsel vm0, v24, v25;
	v28 =	vor.u32 s23, v20;
	v25 =	vsel vm1, v26, v27  }
0x1b0: {  	v26 =	vor.u32 s23, v21;
	vm0 =	vgt.s32 v25, v24  }
0x1b1: {  	v27 =	vor.u32 s23, v22;
	v24 =	vsel vm0, v25, v24  }
0x1b2: {  	s22 =	sadd.s32 $0x10, s22;
	v29 =	vor.u32 s23, v23;
	v25 =	vor.u32 s23, v0;
	v24 =	vandn.u32 $0x1F, v24  }
0x1b3: {  	v30 =	vand.u32 v4, v25;
	[tilespmem:s22+$0x0] =	vst v24  }
0x1b4: {  	v24 =	vor.u32 s23, v5;
	v28 =	vld.idx.msk [tilespmem:v28+s14+$0x0], $0xffff  }
0x1b5: {  	v31 =	vor.u32 s23, v6;
	v32 =	vld.idx.msk [tilespmem:v26+s14+$0x0], $0xffff  }
0x1b6: {  	v26 =	vor.u32 s23, v7;
	v27 =	vld.idx.msk [tilespmem:v27+s14+$0x0], $0xffff  }
0x1b7: {  	v33 =	vor.u32 s23, v8;
	v25 =	vld.idx.msk [tilespmem:v29+s14+$0x0], $0xffff  }
0x1b8: {  	v29 =	vor.u32 s23, v9;
	v30 =	vld.idx.msk [tilespmem:v30+s14+$0x0], $0xffff  }
0x1b9: {  	v36 =	vld.idx.msk [tilespmem:v24+s14+$0x0], $0xffff;
	v24 =	vor.u32 s23, v10  }
0x1ba: {  	v40 =	vld.idx.msk [tilespmem:v31+s14+$0x0], $0xffff;
	v31 =	vor.u32 s23, v11  }
0x1bb: {  	v42 =	vor.u32 s23, v13;
	v39 =	vor.u32 s23, v12;
	v41 =	vld.idx.msk [tilespmem:v26+s14+$0x0], $0xffff  }
0x1bc: {  	v43 =	vor.u32 s23, v14;
	v38 =	vmul.u32 $0x140, v32;
	v26 =	vld.idx.msk [tilespmem:v33+s14+$0x0], $0xffff;
	v33 =	vmul.u32 $0x140, v28  }
0x1bd: {  	v37 =	vor.u32 s23, v15;
	v35 =	vor.u32 s23, v16;
	v34 =	vor.u32 s23, v17;
	v32 =	vld.idx.msk [tilespmem:v29+s14+$0x0], $0xffff  }
.Ltmp5:
0x1be: {  	v28 =	vor.u32 s23, v18;
	v44 =	vor.u32 $0xE, v38;
	v29 =	vld.idx.msk [tilespmem:v24+s14+$0x0], $0xffff;
	v24 =	vor.u32 $0xF, v33;
	(pc) =	sbr.rel @p0 .LBB2_13-.Ltmp5, $4  }
0x1bf: {  	v33 =	vshll.u32 v30, $0x5;
	v30 =	vld.idx.msk [tilespmem:v31+s14+$0x0], $0xffff;
	v31 =	vor.u32 s23, v19;
	vm0 =	vgt.s32 v24, v44  }
0x1c0: {  	v38 =	vor.u32 $0x1F, v33;
	v33 =	vld.idx.msk [tilespmem:v39+s14+$0x0], $0xffff;
	v39 =	vmul.u32 $0x140, v27;
	v24 =	vsel vm0, v24, v44  }
0x1c1: {  	v27 =	vshll.u32 v36, $0x5;
	v44 =	vshll.u32 v40, $0x5;
	v45 =	vshll.u32 v41, $0x5;
	v36 =	vld.idx.msk [tilespmem:v42+s14+$0x0], $0xffff  }
0x1c2: {  	s23 =	sadd.s32 $0x200, s23;
	v40 =	vor.u32 $0x1E, v27;
	v41 =	vor.u32 $0x1D, v44;
	v42 =	vor.u32 $0x1C, v45;
	v27 =	vld.idx.msk [tilespmem:v43+s14+$0x0], $0xffff  }
0x1c3: {  	_ =	sdelay $0x2  }
0x1c4: {  	v39 =	vor.u32 $0xD, v39;
	vm0 =	vgt.s32 v38, v40;
	vm1 =	vgt.s32 v41, v42  }
0x1c5: {  	v37 =	vld.idx.msk [tilespmem:v37+s14+$0x0], $0xffff;
	v25 =	vshll.u32 v25, $0x5;
	v32 =	vmul.u32 $0x140, v32;
	v26 =	vshll.u32 v26, $0x5  }
0x1c6: {  	v35 =	vld.idx.msk [tilespmem:v35+s14+$0x0], $0xffff;
	v29 =	vmul.u32 $0x140, v29;
	v38 =	vsel vm0, v38, v40;
	v58 =	vsel vm1, v41, v42  }
0x1c7: {  	v34 =	vld.idx.msk [tilespmem:v34+s14+$0x0], $0xffff;
	v25 =	vor.u32 $0xC, v25;
	v26 =	vor.u32 $0x1B, v26;
	v30 =	vmul.u32 $0x140, v30  }
0x1c8: {  	v28 =	vld.idx.msk [tilespmem:v28+s14+$0x0], $0xffff;
	vm0 =	vgt.s32 v38, v58;
	v32 =	vor.u32 $0x1A, v32;
	v29 =	vor.u32 $0x19, v29  }
0x1c9: {  	v31 =	vld.idx.msk [tilespmem:v31+s14+$0x0], $0xffff;
	v33 =	vshll.u32 v33, $0x5;
	v38 =	vsel vm0, v38, v58;
	v36 =	vshll.u32 v36, $0x5  }
0x1ca: {  	v30 =	vor.u32 $0x18, v30;
	v33 =	vor.u32 $0x17, v33;
	vm7 =	vgt.s32 v26, v32  }
0x1cb: {  	v36 =	vor.u32 $0x16, v36;
	vm8 =	vgt.s32 v29, v30;
	v26 =	vsel vm7, v26, v32  }
0x1cc: {  	v27 =	vshll.u32 v27, $0x5;
	vm2 =	vgt.s32 v33, v36;
	v29 =	vsel vm8, v29, v30  }
0x1cd: {  	v60 =	vmul.u32 $0x140, v37;
	v61 =	vmul.u32 $0x140, v35;
	v34 =	vmul.u32 $0x140, v34  }
0x1ce: {  	v28 =	vmul.u32 $0x140, v28;
	v31 =	vmul.u32 $0x140, v31;
	v27 =	vor.u32 $0x15, v27  }
0x1cf: {  	v59 =	vsel vm2, v33, v36;
	v32 =	vor.u32 $0x14, v60;
	v33 =	vor.u32 $0x13, v61  }
0x1d0: {  	v34 =	vor.u32 $0x12, v34;
	v28 =	vor.u32 $0x11, v28;
	v31 =	vor.u32 $0x10, v31  }
0x1d1: {  	vm9 =	vgt.s32 v27, v32;
	vm10 =	vgt.s32 v33, v34;
	vm11 =	vgt.s32 v28, v31  }
0x1d2: {  	v27 =	vsel vm9, v27, v32;
	v62 =	vsel vm10, v33, v34;
	v28 =	vsel vm11, v28, v31  }
0x1d3: {  	vm12 =	vgt.s32 v26, v29;
	vm13 =	vgt.s32 v59, v27;
	vm2 =	vgt.s32 v62, v28  }
0x1d4: {  	v26 =	vsel vm12, v26, v29;
	v27 =	vsel vm13, v59, v27;
	v28 =	vsel vm2, v62, v28  }
0x1d5: {  	vm14 =	vgt.s32 v39, v25;
	vm15 =	vgt.s32 v38, v26;
	vm2 =	vgt.s32 v27, v28  }
0x1d6: {  	v25 =	vsel vm14, v39, v25;
	v26 =	vsel vm15, v38, v26;
	v27 =	vsel vm2, v27, v28  }
0x1d7: {  	vm0 =	vgt.s32 v24, v25;
	vm1 =	vgt.s32 v26, v27  }
0x1d8: {  	v24 =	vsel vm0, v24, v25;
	v63 =	vsel vm1, v26, v27  }
0x1d9: {  	s0 =	sshll.u32 s21, $0x4;
	s3 =	sshll.u32 s20, $0x4;
	vm0 =	vgt.s32 v63, v24  }
0x1da: {  	s31 =	sadd.s32 $0x10, s22;
	s19 =	sadd.s32 $0x1, s19;
	s0 =	sand.u32 $0x70, s0;
	v24 =	vsel vm0, v63, v24  }
0x1db: {  	s3 =	sand.u32 $0x380, s3;
	p0 =	sne.s32 s19, $0x8;
	s0 =	sadd.s32 s0, s10;
	v24 =	vandn.u32 $0x1F, v24  }
.Ltmp6:
0x1dc: {  	s0 =	sadd.s32 s3, s0;
	[tilespmem:s31+$0x0] =	vst v24;
	(pc) =	sbr.rel @p0 .LBB2_2-.Ltmp6, $4  }
0x1dd: {  	[hbm4b:s0+s4] =	stream.linear.scatter [tilespmem:s15], [sflag:$0x3], $0x80, $0x38;
	[tilespmem:$0x5080] =	vst v63  }
0x1de: {  	_ =	swait.ge [sflag:s16], $0x80  }
0x1df: {  	[sflag:s16] =	ssyncset.done $0x0  }
0x1e0: {  	[sflag:s16] =	ssyncadd.s32 $0xFFFFFF80  }
0x1e1: {  	s18 =	sadd.s32 $0x1, s18  }
0x1e2: {  	p0 =	sne.s32 s18, s11  }
.Ltmp7:
0x1e3: {  	_ = 	snop;
	(pc) =	sbr.rel @p0 .LBB2_1-.Ltmp7, $1  }
0x1e4: {  	_ =	sdelay $0x3  }
0x1e5: {  	_ =	sfence.sel $0x180000  }
0x1e6: {  	[bflag:$0x0] =	sbarrier.arrive $0xFFFF  }
0x1e7: {  	_ =	strace $0x90000047  }
0x1e8: {  	s0 =	stileid.u32;
	[bflag:$0x2] =	sbarrier.arrive $0xFFFF  }
0x1e9: {  	p0 =	sne.s32 s0, $0x0;
	s0 =	rddreg [dreg:$0x2]  }
0x1ea: {  	s0 =	sadd.s32 @!p0 $0x100000, s0  }
0x1eb: {  	[sflag:s0] =	ssyncadd.tile.s32 @!p0 $0x1;
	_ =	shalt  }
.Lfunc_end2:
_tile_overlayer_lowered:
.L_overlay_start_2:
0x1ec: {  	(tag) =	ssettag $0x2  }
0x1ed: {  	s0 =	rddreg [dreg:$0x0];
	s2 =	stileid.u32  }
0x1ee: {  	s1 =	rddreg [dreg:$0x1];
	p0 =	sne.s32 s2, $0x0  }
0x1ef: {  	s3 =	rddreg [dreg:$0x2];
	[bflag:$0x3] =	sbarrier.arrive $0xFFFF;
	s2 =	simm.s32 @!p0 $0x1C03  }
0x1f0: {  	[timem:s3], [sflag:s2] =	dma.local @!p0 [hbm:s0], s1  }
0x1f1: {  	s0 =	simm.s32 @!p0 $0x3  }
0x1f2: {  	_ =	swait.ge @!p0 [sflag:s0], s1  }
0x1f3: {  	s1 =	ssub.s32 @!p0 $0x0, s1;
	[sflag:s0] =	ssyncset.done @!p0 $0x0  }
0x1f4: {  	[sflag:s0] =	ssyncadd.s32 @!p0 s1  }
0x1f5: {  	[bflag:$0x3] =	sbarrier.arrive $0xFFFF  }
0x1f6: {  	_ =	shalt  }

</sc_bundles>
